<compile_context>
chip_gen: v7x
topology: tpu7x:2x2x1
jax: 0.10.2.dev20260603
libtpu: 0.0.44.dev20260713+nightly
codegen_flags: <defaults>
</compile_context>

<pallas_src>
import functools

import numpy as np
import jax
import jax.numpy as jnp
from jax import lax
from jax.experimental import pallas as pl
from jax.experimental.pallas import tpu as pltpu
from jax.experimental.pallas import tpu_sc as plsc

ROWS = 128
COLS = 100000
CP = 100352
NCHUNK = CP // 128
NSUB = CP // 32
K = 1024
GB = 128
RA = 16

MIN_P = 0.05
LOG_MIN_P = np.float32(np.log(np.float32(MIN_P)))
TINY = np.float32(np.finfo(np.float32).tiny)
NEG_INF = np.float32(-np.inf)


def _threefry_bits(i_u32):
    k0 = np.uint32(0)
    k1 = np.uint32(42)
    ks = (k0, k1, np.uint32(k0 ^ k1 ^ np.uint32(0x1BD11BDA)))
    rot = ((13, 15, 26, 6), (17, 29, 16, 24))
    x0 = jnp.full_like(i_u32, ks[0])
    x1 = i_u32 + ks[1]
    for g in range(5):
        for r in rot[g % 2]:
            x0 = x0 + x1
            x1 = (x1 << np.uint32(r)) | (x1 >> np.uint32(32 - r))
            x1 = x0 ^ x1
        x0 = x0 + ks[(g + 1) % 3]
        x1 = x1 + ks[(g + 2) % 3] + np.uint32(g + 1)
    return x0 ^ x1


def _gumbel_from_bits(bits):
    fb = (bits >> np.uint32(9)) | np.uint32(0x3F800000)
    f = lax.bitcast_convert_type(fb, jnp.float32) - np.float32(1.0)
    u = jnp.maximum(f, TINY)
    return -jnp.log(-jnp.log(u))



_DCHUNK = 2048


def _dense_body(l_ref, out_ref, scores_ref):
    i = pl.program_id(0)
    l = l_ref[...]
    thr = jnp.max(l, axis=1, keepdims=True) + LOG_MIN_P

    row0 = (i * RA + lax.broadcasted_iota(jnp.int32, (RA, _DCHUNK), 0))
    col_local = lax.broadcasted_iota(jnp.int32, (RA, _DCHUNK), 1)

    def chunk_step(c, carry):
        start = pl.multiple_of(c * _DCHUNK, _DCHUNK)
        lc = l_ref[:, pl.ds(start, _DCHUNK)]
        flat = row0 * COLS + (c * _DCHUNK + col_local)
        g = _gumbel_from_bits(_threefry_bits(flat.astype(jnp.uint32)))
        scores_ref[:, pl.ds(start, _DCHUNK)] = jnp.where(
            lc >= thr, lc + g, NEG_INF)
        return carry

    lax.fori_loop(0, CP // _DCHUNK, chunk_step, 0)

    s = scores_ref[...]
    mx = jnp.max(s, axis=1, keepdims=True)
    col = lax.broadcasted_iota(jnp.int32, (RA, CP), 1)
    idx = jnp.min(jnp.where(s == mx, col, np.int32(CP)), axis=1)
    out_ref[...] = jnp.broadcast_to(idx[:, None], (RA, 128))


def _dense_sample(logits_p):
    out = pl.pallas_call(
        _dense_body,
        grid=(ROWS // RA,),
        in_specs=[pl.BlockSpec((RA, CP), lambda i: (i, 0))],
        out_specs=pl.BlockSpec((RA, 128), lambda i: (i, 0)),
        out_shape=jax.ShapeDtypeStruct((ROWS, 128), jnp.int32),
        scratch_shapes=[pltpu.VMEM((RA, CP), jnp.float32)],
    )(logits_p)
    return out[:, :1]



def _stats_body(l_ref, cmax_ref, thr_ref, tbl_ref):
    pieces = []
    for c in range(48):
        l2 = l_ref[:, pl.ds(c * 2048, 2048)]
        tbl_ref[:, pl.ds(c * 2048, 2048)] = l2
        pieces.append(jnp.max(l2.reshape(RA, 64, 32), axis=2))
    for t in range(13):
        lt = l_ref[:, pl.ds(98304 + t * 128, 128)]
        tbl_ref[:, pl.ds(98304 + t * 128, 128)] = lt
        pieces.append(jnp.max(lt.reshape(RA, 4, 32), axis=2))
    l32 = l_ref[:, pl.ds(99968, 32)]
    tbl_ref[:, pl.ds(99968, 384)] = jnp.concatenate(
        [l32, jnp.full((RA, 352), NEG_INF, jnp.float32)], axis=1)
    pieces.append(jnp.max(l32.reshape(RA, 1, 32), axis=2))
    pieces.append(jnp.full((RA, 11), NEG_INF, jnp.float32))
    cm = jnp.concatenate(pieces, axis=1)
    cmax_ref[...] = cm
    m = jnp.max(cm, axis=1, keepdims=True)
    thr_ref[...] = jnp.broadcast_to(m + LOG_MIN_P, (RA, 16))


def _stats(logits):
    return pl.pallas_call(
        _stats_body,
        grid=(ROWS // RA,),
        in_specs=[pl.BlockSpec((RA, COLS), lambda i: (i, 0))],
        out_specs=[
            pl.BlockSpec((RA, NSUB), lambda i: (i, 0)),
            pl.BlockSpec((RA, 16), lambda i: (i, 0)),
            pl.BlockSpec((RA, CP), lambda i: (i, 0)),
        ],
        out_shape=[
            jax.ShapeDtypeStruct((ROWS, NSUB), jnp.float32),
            jax.ShapeDtypeStruct((ROWS, 16), jnp.float32),
            jax.ShapeDtypeStruct((ROWS, CP), jnp.float32),
        ],
    )(logits)



_RPT = ROWS // 32


def _sc_compact(table, cmax, thr):
    mesh = plsc.VectorSubcoreMesh(
        core_axis_name="c", subcore_axis_name="s", num_cores=2,
        num_subcores=16)

    @functools.partial(
        pl.kernel,
        compiler_params=pltpu.CompilerParams(needs_layout_passes=False),
        out_type=(
            jax.ShapeDtypeStruct((ROWS, K), jnp.int32),
            jax.ShapeDtypeStruct((ROWS, K), jnp.float32),
            jax.ShapeDtypeStruct((ROWS, 16), jnp.int32),
        ),
        mesh=mesh,
        scratch_types=(
            pltpu.VMEM((_RPT, NSUB), jnp.float32),
            pltpu.VMEM((_RPT, 16), jnp.float32),
            pltpu.VMEM((NSUB + 2 * GB,), jnp.int32),
            pltpu.VMEM((GB,), jnp.int32),
            pltpu.VMEM((GB, 128), jnp.float32),
            pltpu.VMEM((K + 16,), jnp.int32),
            pltpu.VMEM((K + 16,), jnp.float32),
            pltpu.VMEM((16,), jnp.int32),
            pltpu.SemaphoreType.DMA,
        ),
    )
    def body(table_hbm, cmax_hbm, thr_hbm, cidx_hbm, cval_hbm, cnt_hbm,
             cm_buf, thr_buf, ids_buf, idxv_buf, gbuf, cidx_buf, cval_buf,
             cnt_buf, sem):
        wid = lax.axis_index("s") * 2 + lax.axis_index("c")
        iota16 = lax.iota(jnp.int32, 16)

        pltpu.sync_copy(cmax_hbm.at[pl.ds(wid * _RPT, _RPT)], cm_buf)
        pltpu.sync_copy(thr_hbm.at[pl.ds(wid * _RPT, _RPT)], thr_buf)

        def row_body(ri, _):
            r = wid * _RPT + ri
            rbase = r * NCHUNK
            thrv = thr_buf[ri]

            def fscan(j, nc):
                v = cm_buf[ri, pl.ds(j * 16, 16)]
                mask = v >= thrv
                pc = plsc.all_reduce_population_count(mask)[0]
                ids = j * 16 + iota16
                plsc.store_compressed(ids_buf.at[pl.ds(nc, 16)], ids,
                                      mask=mask)
                return nc + pc
            nc = lax.fori_loop(0, NSUB // 16, fscan, jnp.int32(0))

            def pad(k2, _):
                ids_buf[pl.ds(nc + k2 * 16, 16)] = jnp.zeros((16,),
                                                             jnp.int32)
                return 0
            lax.fori_loop(0, GB // 16, pad, 0)

            nbatch = (nc + GB - 1) // GB

            def batch_body(b, ncand):
                def cp(k2, _):
                    sub = ids_buf[pl.ds(b * GB + k2 * 16, 16)]
                    idxv_buf[pl.ds(k2 * 16, 16)] = rbase + sub // 4
                    return 0
                lax.fori_loop(0, GB // 16, cp, 0)
                pltpu.async_copy(table_hbm.at[idxv_buf], gbuf, sem).wait()
                nb = jnp.minimum(nc - b * GB, GB)

                def grp_body(k2, ncand):
                    slotvec = k2 * 16 + iota16
                    idsv = ids_buf[pl.ds(b * GB + k2 * 16, 16)]
                    offs = (idsv % 4) * 32
                    colb = idsv * 32
                    valid = slotvec < nb

                    def vloop(j, ncand):
                        v = plsc.load_gather(gbuf, [slotvec, offs + j])
                        cols = colb + j
                        mask = jnp.logical_and(
                            jnp.logical_and(v >= thrv, valid), cols < COLS)
                        pc = plsc.all_reduce_population_count(mask)[0]
                        off = jnp.minimum(ncand, K)
                        plsc.store_compressed(
                            cidx_buf.at[pl.ds(off, 16)], cols, mask=mask)
                        plsc.store_compressed(
                            cval_buf.at[pl.ds(off, 16)], v, mask=mask)
                        return ncand + pc
                    return lax.fori_loop(0, 32, vloop, ncand)
                ngrp = (nb + 15) // 16
                return lax.fori_loop(0, ngrp, grp_body, ncand)
            ncand = lax.fori_loop(0, nbatch, batch_body, jnp.int32(0))

            pltpu.sync_copy(cidx_buf.at[pl.ds(0, K)], cidx_hbm.at[r])
            pltpu.sync_copy(cval_buf.at[pl.ds(0, K)], cval_hbm.at[r])
            cnt_buf[...] = jnp.full((16,), ncand, jnp.int32)
            pltpu.sync_copy(cnt_buf, cnt_hbm.at[r])
            return 0

        lax.fori_loop(0, _RPT, row_body, 0)

    return body(table, cmax, thr)



def _pick_body(ci_ref, cv_ref, cnt_ref, out_ref):
    idx = ci_ref[...]
    val = cv_ref[...]
    cnt = cnt_ref[...][:, :1]
    pos = lax.broadcasted_iota(jnp.int32, (ROWS, K), 1)
    live = pos < cnt
    row = lax.broadcasted_iota(jnp.int32, (ROWS, K), 0)
    flat = row * COLS + jnp.where(live, idx, 0)
    g = _gumbel_from_bits(_threefry_bits(flat.astype(jnp.uint32)))
    score = jnp.where(live, val + g, NEG_INF)
    mx = jnp.max(score, axis=1, keepdims=True)
    win = jnp.min(jnp.where(score == mx, idx, np.int32(COLS + 1)), axis=1)
    out_ref[...] = jnp.broadcast_to(win[:, None], (ROWS, 128))


def _pick(ci, cv, cnt):
    out = pl.pallas_call(
        _pick_body,
        in_specs=[
            pl.BlockSpec((ROWS, K), lambda: (0, 0)),
            pl.BlockSpec((ROWS, K), lambda: (0, 0)),
            pl.BlockSpec((ROWS, 16), lambda: (0, 0)),
        ],
        out_specs=pl.BlockSpec((ROWS, 128), lambda: (0, 0)),
        out_shape=jax.ShapeDtypeStruct((ROWS, 128), jnp.int32),
    )(ci, cv, cnt)
    return out[:, :1]


@jax.jit
def kernel(logits):
    cmax, thr, tbl = _stats(logits)
    ci, cv, cnt = _sc_compact(tbl.reshape(ROWS * NCHUNK, 128), cmax, thr)
    overflow = jnp.any(cnt[:, 0] > K)
    return lax.cond(overflow,
                    lambda: _dense_sample(tbl),
                    lambda: _pick(ci, cv, cnt))

# --- scband reference (transcript-rebuilt; emitter-appended) ---
"""Pipeline reference for scband-min-psampler-42606075576436 (READ-ONLY COPY).

The authoritative reference and input builder live on the scoring server;
editing this copy changes nothing except your own understanding.
"""

import jax, jax.numpy as jnp
import numpy as np

MIN_P = 0.05
TEMPERATURE = 1.0

def setup_inputs(seed: int = 0) -> dict:
    key = jax.random.key(seed)
    logits = jax.random.normal(key, (128, 100000), dtype=jnp.float32) * 3.0
    return {"logits": logits}

def reference(logits):
    # temperature scaling
    logits = logits / TEMPERATURE
    probs = jax.nn.softmax(logits, axis=-1)
    max_p = jnp.max(probs, axis=-1, keepdims=True)
    threshold = max_p * MIN_P
    probs = jnp.where(probs < threshold, 0.0, probs)
    probs = probs / jnp.sum(probs, axis=-1, keepdims=True)
    # torch.multinomial(probs, 1) -> categorical sample with fixed key for reproducibility
    skey = jax.random.key(42)
    samples = jax.random.categorical(skey, jnp.log(probs), axis=-1)
    return samples[:, None]

if __name__ == "__main__":
    import jax
    _d = setup_inputs()
    print(jax.jit(kernel)(*tuple(_d.values())))

</pallas_src>

<mosaic_0001>
#map = affine_map<(d0, d1) -> (0, 0)>
module attributes {stable_mosaic.version = 14 : i64} {
  func.func @body(%arg0: i32, %arg1: i32, %arg2: memref<100352x128xf32, #tpu.memory_space<hbm>>, %arg3: memref<128x3136xf32, #tpu.memory_space<hbm>>, %arg4: memref<128x16xf32, #tpu.memory_space<hbm>>, %arg5: memref<128x1024xi32, #tpu.memory_space<hbm>>, %arg6: memref<128x1024xf32, #tpu.memory_space<hbm>>, %arg7: memref<128x16xi32, #tpu.memory_space<hbm>>, %arg8: memref<4x3136xf32, #tpu.memory_space<vmem>>, %arg9: memref<4x16xf32, #tpu.memory_space<vmem>>, %arg10: memref<3392xi32, #tpu.memory_space<vmem>>, %arg11: memref<128xi32, #tpu.memory_space<vmem>>, %arg12: memref<128x128xf32, #tpu.memory_space<vmem>>, %arg13: memref<1040xi32, #tpu.memory_space<vmem>>, %arg14: memref<1040xf32, #tpu.memory_space<vmem>>, %arg15: memref<16xi32, #tpu.memory_space<vmem>>, %arg16: memref<!tpu.dma_semaphore, #tpu.memory_space<semaphore_mem>>) attributes {dimension_semantics = [#tpu.dimension_semantics<core_parallel>, #tpu.dimension_semantics<subcore_parallel>], iteration_bounds = array<i64: 2, 16>, scalar_prefetch = 0 : i64, scratch_operands = 9 : i64, tpu.core_type = #tpu.core_type<sc_vector_subcore>, window_params = [{transform_indices = #map}, {transform_indices = #map}, {transform_indices = #map}, {transform_indices = #map}, {transform_indices = #map}, {transform_indices = #map}]} {
    %mul3A = arith.constant 2 : i32
    %mul3A_0 = arith.muli %arg1, %mul3A : i32
    %add3A = arith.addi %mul3A_0, %arg0 : i32
    %iota3A = tpu.iota {dimensions = array<i32: 0>} : vector<16xi32>
    %mul3A_1 = arith.constant 4 : i32
    %mul3A_2 = arith.muli %add3A, %mul3A_1 : i32
    "tpu.region"() ({
      %run_scoped3A = tpu.sem_alloc : memref<!tpu.dma_semaphore, #tpu.memory_space<semaphore_mem>>
      %dma_start3A = arith.constant 0 : i32
      %dma_start3A_11 = tpu.memref_slice %arg3[%mul3A_2, %dma_start3A] : memref<128x3136xf32, #tpu.memory_space<hbm>> -> memref<4x3136xf32, #tpu.memory_space<hbm>>
      %dma_start3A_12 = arith.constant 0 : i32
      %dma_start3A_13 = tpu.memref_slice %arg3[%mul3A_2, %dma_start3A_12] : memref<128x3136xf32, #tpu.memory_space<hbm>> -> memref<4x3136xf32, #tpu.memory_space<hbm>>
      tpu.enqueue_dma source(%dma_start3A_13 : memref<4x3136xf32, #tpu.memory_space<hbm>>) target(%arg8 : memref<4x3136xf32, #tpu.memory_space<vmem>>) target_semaphore(%run_scoped3A : memref<!tpu.dma_semaphore, #tpu.memory_space<semaphore_mem>>)
      %dma_wait3A = arith.constant 0 : i32
      %dma_wait3A_14 = tpu.memref_slice %arg3[%mul3A_2, %dma_wait3A] : memref<128x3136xf32, #tpu.memory_space<hbm>> -> memref<4x3136xf32, #tpu.memory_space<hbm>>
      %dma_wait3A_15 = arith.constant 0 : i32
      %dma_wait3A_16 = tpu.memref_slice %arg3[%mul3A_2, %dma_wait3A_15] : memref<128x3136xf32, #tpu.memory_space<hbm>> -> memref<4x3136xf32, #tpu.memory_space<hbm>>
      tpu.wait_dma2 semaphore(%run_scoped3A : memref<!tpu.dma_semaphore, #tpu.memory_space<semaphore_mem>>) src(%dma_wait3A_16 : memref<4x3136xf32, #tpu.memory_space<hbm>>) dst(%arg8 : memref<4x3136xf32, #tpu.memory_space<vmem>>)
      tpu.yield
    }) : () -> ()
    %mul3A_3 = arith.constant 4 : i32
    %mul3A_4 = arith.muli %add3A, %mul3A_3 : i32
    "tpu.region"() ({
      %run_scoped3A = tpu.sem_alloc : memref<!tpu.dma_semaphore, #tpu.memory_space<semaphore_mem>>
      %dma_start3A = arith.constant 0 : i32
      %dma_start3A_11 = tpu.memref_slice %arg4[%mul3A_4, %dma_start3A] : memref<128x16xf32, #tpu.memory_space<hbm>> -> memref<4x16xf32, #tpu.memory_space<hbm>>
      %dma_start3A_12 = arith.constant 0 : i32
      %dma_start3A_13 = tpu.memref_slice %arg4[%mul3A_4, %dma_start3A_12] : memref<128x16xf32, #tpu.memory_space<hbm>> -> memref<4x16xf32, #tpu.memory_space<hbm>>
      tpu.enqueue_dma source(%dma_start3A_13 : memref<4x16xf32, #tpu.memory_space<hbm>>) target(%arg9 : memref<4x16xf32, #tpu.memory_space<vmem>>) target_semaphore(%run_scoped3A : memref<!tpu.dma_semaphore, #tpu.memory_space<semaphore_mem>>)
      %dma_wait3A = arith.constant 0 : i32
      %dma_wait3A_14 = tpu.memref_slice %arg4[%mul3A_4, %dma_wait3A] : memref<128x16xf32, #tpu.memory_space<hbm>> -> memref<4x16xf32, #tpu.memory_space<hbm>>
      %dma_wait3A_15 = arith.constant 0 : i32
      %dma_wait3A_16 = tpu.memref_slice %arg4[%mul3A_4, %dma_wait3A_15] : memref<128x16xf32, #tpu.memory_space<hbm>> -> memref<4x16xf32, #tpu.memory_space<hbm>>
      tpu.wait_dma2 semaphore(%run_scoped3A : memref<!tpu.dma_semaphore, #tpu.memory_space<semaphore_mem>>) src(%dma_wait3A_16 : memref<4x16xf32, #tpu.memory_space<hbm>>) dst(%arg9 : memref<4x16xf32, #tpu.memory_space<vmem>>)
      tpu.yield
    }) : () -> ()
    %scan3A = arith.constant 0 : i32
    %scan3A_5 = arith.constant 0 : i32
    %scan3A_6 = arith.constant 4 : i32
    %scan3A_7 = arith.addi %scan3A_5, %scan3A_6 : i32
    %scan3A_8 = arith.constant 1 : i32
    %scan3A_9 = scf.for %scan3A_11 = %scan3A_5 to %scan3A_7 step %scan3A_8 iter_args(%scan3A_12 = %scan3A) -> (i32)  : i32 {
      %mul3A_13 = arith.constant 4 : i32
      %mul3A_14 = arith.muli %add3A, %mul3A_13 : i32
      %add3A_15 = arith.addi %mul3A_14, %scan3A_11 : i32
      %mul3A_16 = arith.constant 784 : i32
      %mul3A_17 = arith.muli %add3A_15, %mul3A_16 : i32
      %get3A = arith.index_cast %scan3A_11 : i32 to index
      %get3A_18 = arith.constant 0 : index
      %get3A_19 = tpu.vector_load %arg9[%get3A, %get3A_18] {strides = array<i32>} : memref<4x16xf32, #tpu.memory_space<vmem>>, vector<16xf32>,
      %scan3A_20 = arith.constant 0 : i32
      %scan3A_21 = arith.constant 0 : i32
      %scan3A_22 = arith.constant 196 : i32
      %scan3A_23 = arith.addi %scan3A_21, %scan3A_22 : i32
      %scan3A_24 = arith.constant 1 : i32
      %scan3A_25 = scf.for %scan3A_67 = %scan3A_21 to %scan3A_23 step %scan3A_24 iter_args(%scan3A_68 = %scan3A_20) -> (i32)  : i32 {
        %mul3A_69 = arith.constant 16 : i32
        %mul3A_70 = arith.muli %scan3A_67, %mul3A_69 : i32
        %get3A_71 = arith.index_cast %scan3A_11 : i32 to index
        %get3A_72 = arith.index_cast %mul3A_70 : i32 to index
        %get3A_73 = tpu.vector_load %arg8[%get3A_71, %get3A_72] {strides = array<i32>} : memref<4x3136xf32, #tpu.memory_space<vmem>>, vector<16xf32>,
        %ge3A = arith.cmpf oge, %get3A_73, %get3A_19 : vector<16xf32>
        %all_reduce_population_count3A = tpu.all_reduce %ge3A {dim = 0 : i64, kind = #tpu.reduction_kind<sum>} : vector<16xi1> -> vector<16xi32>
        %slice3A = vector.extract_strided_slice %all_reduce_population_count3A {offsets = [0], sizes = [1], strides = [1]} : vector<16xi32> to vector<1xi32>
        %squeeze3A = vector.extract %slice3A[0] : i32 from vector<1xi32>
        %mul3A_74 = arith.constant 16 : i32
        %mul3A_75 = arith.muli %scan3A_67, %mul3A_74 : i32
        %add3A_76 = vector.broadcast %mul3A_75 : i32 to vector<16xi32>
        %add3A_77 = arith.addi %add3A_76, %iota3A : vector<16xi32>
        %swap3A_78 = arith.index_cast %scan3A_68 : i32 to index
        %swap3A_79 = tpu.vector_load %arg10[%swap3A_78] masked %ge3A {strides = array<i32>} : memref<3392xi32, #tpu.memory_space<vmem>>, vector<16xi32>, vector<16xi1>
        tpu.vector_store %arg10[%swap3A_78], %add3A_77 masked %ge3A {strides = array<i32>} : memref<3392xi32, #tpu.memory_space<vmem>>, vector<16xi32>, vector<16xi1>
        %add3A_80 = arith.addi %scan3A_68, %squeeze3A : i32
        scf.yield %add3A_80 : i32
      }
      %scan3A_26 = arith.constant 196 : i32
      %scan3A_27 = arith.constant 0 : i32
      %scan3A_28 = arith.constant 0 : i32
      %scan3A_29 = arith.constant 8 : i32
      %scan3A_30 = arith.addi %scan3A_28, %scan3A_29 : i32
      %scan3A_31 = arith.constant 1 : i32
      %scan3A_32 = scf.for %scan3A_67 = %scan3A_28 to %scan3A_30 step %scan3A_31 iter_args(%scan3A_68 = %scan3A_27) -> (i32)  : i32 {
        %broadcast_in_dim3A_69 = arith.constant 0 : i32
        %broadcast_in_dim3A_70 = vector.broadcast %broadcast_in_dim3A_69 : i32 to vector<16xi32>
        %mul3A_71 = arith.constant 16 : i32
        %mul3A_72 = arith.muli %scan3A_67, %mul3A_71 : i32
        %add3A_73 = arith.addi %scan3A_25, %mul3A_72 : i32
        %swap3A_74 = arith.index_cast %add3A_73 : i32 to index
        %swap3A_75 = tpu.vector_load %arg10[%swap3A_74] {strides = array<i32>} : memref<3392xi32, #tpu.memory_space<vmem>>, vector<16xi32>,
        tpu.vector_store %arg10[%swap3A_74], %broadcast_in_dim3A_70 {strides = array<i32>} : memref<3392xi32, #tpu.memory_space<vmem>>, vector<16xi32>,
        %scan3A_76 = arith.constant 0 : i32
        scf.yield %scan3A_76 : i32
      }
      %scan3A_33 = arith.constant 8 : i32
      %add3A_34 = arith.constant 128 : i32
      %add3A_35 = arith.addi %scan3A_25, %add3A_34 : i32
      %sub3A = arith.constant 1 : i32
      %sub3A_36 = arith.subi %add3A_35, %sub3A : i32
      %jit3A = arith.constant 128 : i32
      %div3A = arith.divsi %sub3A_36, %jit3A : i32
      %sign3A = arith.constant 0 : i32
      %sign3A_37 = arith.cmpi sgt, %sub3A_36, %sign3A : i32
      %sign3A_38 = arith.extui %sign3A_37 : i1 to i32
      %sign3A_39 = arith.constant 0 : i32
      %sign3A_40 = arith.cmpi slt, %sub3A_36, %sign3A_39 : i32
      %sign3A_41 = arith.extui %sign3A_40 : i1 to i32
      %sign3A_42 = arith.subi %sign3A_38, %sign3A_41 : i32
      %sign3A_43 = arith.constant 0 : i32
      %sign3A_44 = arith.cmpi sgt, %jit3A, %sign3A_43 : i32
      %sign3A_45 = arith.extui %sign3A_44 : i1 to i32
      %sign3A_46 = arith.constant 0 : i32
      %sign3A_47 = arith.cmpi slt, %jit3A, %sign3A_46 : i32
      %sign3A_48 = arith.extui %sign3A_47 : i1 to i32
      %sign3A_49 = arith.subi %sign3A_45, %sign3A_48 : i32
      %ne3A = arith.cmpi ne, %sign3A_42, %sign3A_49 : i32
      %rem3A = arith.remsi %sub3A_36, %jit3A : i32
      %ne3A_50 = arith.constant 0 : i32
      %ne3A_51 = arith.cmpi ne, %rem3A, %ne3A_50 : i32
      %and3A = arith.andi %ne3A, %ne3A_51 : i1
      %sub3A_52 = arith.constant 1 : i32
      %sub3A_53 = arith.subi %div3A, %sub3A_52 : i32
      %select_n3A = arith.select %and3A, %sub3A_53, %div3A : i32
      %while3A = arith.constant 0 : i32
      %while3A_54 = arith.constant 0 : i32
      %while3A_55 = arith.subi %select_n3A, %while3A : i32
      %while3A_56 = arith.addi %while3A, %while3A_55 : i32
      %while3A_57 = arith.constant 1 : i32
      %while3A_58 = arith.divsi %while3A_55, %while3A_57 : i32
      %while3A_59 = arith.muli %while3A_58, %while3A_57 : i32
      %while3A_60 = arith.addi %while3A, %while3A_59 : i32
      %while3A_61 = arith.constant 1 : i32
      %while3A_62 = scf.for %while3A_67 = %while3A to %while3A_60 step %while3A_61 iter_args(%while3A_68 = %while3A_54) -> (i32)  : i32 {
        %scan3A_69 = arith.constant 0 : i32
        %scan3A_70 = arith.constant 0 : i32
        %scan3A_71 = arith.constant 8 : i32
        %scan3A_72 = arith.addi %scan3A_70, %scan3A_71 : i32
        %scan3A_73 = arith.constant 1 : i32
        %scan3A_74 = scf.for %scan3A_121 = %scan3A_70 to %scan3A_72 step %scan3A_73 iter_args(%scan3A_122 = %scan3A_69) -> (i32)  : i32 {
          %mul3A_123 = arith.constant 128 : i32
          %mul3A_124 = arith.muli %while3A_67, %mul3A_123 : i32
          %mul3A_125 = arith.constant 16 : i32
          %mul3A_126 = arith.muli %scan3A_121, %mul3A_125 : i32
          %add3A_127 = arith.addi %mul3A_124, %mul3A_126 : i32
          %get3A_128 = arith.index_cast %add3A_127 : i32 to index
          %get3A_129 = tpu.vector_load %arg10[%get3A_128] {strides = array<i32>} : memref<3392xi32, #tpu.memory_space<vmem>>, vector<16xi32>,
          %jit3A_130 = arith.constant 4 : i32
          %div3A_131 = vector.broadcast %jit3A_130 : i32 to vector<16xi32>
          %div3A_132 = arith.divsi %get3A_129, %div3A_131 : vector<16xi32>
          %sign3A_133 = arith.constant 0 : i32
          %sign3A_134 = vector.broadcast %sign3A_133 : i32 to vector<16xi32>
          %sign3A_135 = arith.cmpi sgt, %get3A_129, %sign3A_134 : vector<16xi32>
          %sign3A_136 = arith.extui %sign3A_135 : vector<16xi1> to vector<16xi32>
          %sign3A_137 = arith.constant 0 : i32
          %sign3A_138 = vector.broadcast %sign3A_137 : i32 to vector<16xi32>
          %sign3A_139 = arith.cmpi slt, %get3A_129, %sign3A_138 : vector<16xi32>
          %sign3A_140 = arith.extui %sign3A_139 : vector<16xi1> to vector<16xi32>
          %sign3A_141 = arith.subi %sign3A_136, %sign3A_140 : vector<16xi32>
          %sign3A_142 = arith.constant 0 : i32
          %sign3A_143 = arith.cmpi sgt, %jit3A_130, %sign3A_142 : i32
          %sign3A_144 = arith.extui %sign3A_143 : i1 to i32
          %sign3A_145 = arith.constant 0 : i32
          %sign3A_146 = arith.cmpi slt, %jit3A_130, %sign3A_145 : i32
          %sign3A_147 = arith.extui %sign3A_146 : i1 to i32
          %sign3A_148 = arith.subi %sign3A_144, %sign3A_147 : i32
          %ne3A_149 = vector.broadcast %sign3A_148 : i32 to vector<16xi32>
          %ne3A_150 = arith.cmpi ne, %sign3A_141, %ne3A_149 : vector<16xi32>
          %rem3A_151 = vector.broadcast %jit3A_130 : i32 to vector<16xi32>
          %rem3A_152 = arith.remsi %get3A_129, %rem3A_151 : vector<16xi32>
          %ne3A_153 = arith.constant 0 : i32
          %ne3A_154 = vector.broadcast %ne3A_153 : i32 to vector<16xi32>
          %ne3A_155 = arith.cmpi ne, %rem3A_152, %ne3A_154 : vector<16xi32>
          %and3A_156 = arith.andi %ne3A_150, %ne3A_155 : vector<16xi1>
          %sub3A_157 = arith.constant 1 : i32
          %sub3A_158 = vector.broadcast %sub3A_157 : i32 to vector<16xi32>
          %sub3A_159 = arith.subi %div3A_132, %sub3A_158 : vector<16xi32>
          %select_n3A_160 = arith.select %and3A_156, %sub3A_159, %div3A_132 : vector<16xi1>, vector<16xi32>
          %add3A_161 = vector.broadcast %mul3A_17 : i32 to vector<16xi32>
          %add3A_162 = arith.addi %add3A_161, %select_n3A_160 : vector<16xi32>
          %mul3A_163 = arith.constant 16 : i32
          %mul3A_164 = arith.muli %scan3A_121, %mul3A_163 : i32
          %swap3A_165 = arith.index_cast %mul3A_164 : i32 to index
          %swap3A_166 = tpu.vector_load %arg11[%swap3A_165] {strides = array<i32>} : memref<128xi32, #tpu.memory_space<vmem>>, vector<16xi32>,
          tpu.vector_store %arg11[%swap3A_165], %add3A_162 {strides = array<i32>} : memref<128xi32, #tpu.memory_space<vmem>>, vector<16xi32>,
          %scan3A_167 = arith.constant 0 : i32
          scf.yield %scan3A_167 : i32
        }
        %scan3A_75 = arith.constant 8 : i32
        %dma_start3A = arith.constant 0 : i32
        %dma_start3A_76 = arith.constant 0 : i32
        %dma_start3A_77 = tpu.memref_slice %arg2[%dma_start3A, %dma_start3A_76] : memref<100352x128xf32, #tpu.memory_space<hbm>> -> memref<100352x128xf32, #tpu.memory_space<hbm>>
        tpu.enqueue_indirect_dma source(%dma_start3A_77 : memref<100352x128xf32, #tpu.memory_space<hbm>>) target(%arg12 : memref<128x128xf32, #tpu.memory_space<vmem>>) offsets(%arg11 : memref<128xi32, #tpu.memory_space<vmem>>) semaphore(%arg16 : memref<!tpu.dma_semaphore, #tpu.memory_space<semaphore_mem>>)
        %dma_wait3A = arith.constant 0 : i32
        %dma_wait3A_78 = arith.constant 0 : i32
        %dma_wait3A_79 = tpu.memref_slice %arg2[%dma_wait3A, %dma_wait3A_78] : memref<100352x128xf32, #tpu.memory_space<hbm>> -> memref<100352x128xf32, #tpu.memory_space<hbm>>
        tpu.wait_indirect_dma semaphore(%arg16 : memref<!tpu.dma_semaphore, #tpu.memory_space<semaphore_mem>>) src(%dma_wait3A_79 : memref<100352x128xf32, #tpu.memory_space<hbm>>) dst(%arg12 : memref<128x128xf32, #tpu.memory_space<vmem>>)
        %mul3A_80 = arith.constant 128 : i32
        %mul3A_81 = arith.muli %while3A_67, %mul3A_80 : i32
        %sub3A_82 = arith.subi %scan3A_25, %mul3A_81 : i32
        %min3A = arith.constant 128 : i32
        %min3A_83 = arith.minsi %sub3A_82, %min3A : i32
        %add3A_84 = arith.constant 15 : i32
        %add3A_85 = arith.addi %min3A_83, %add3A_84 : i32
        %jit3A_86 = arith.constant 16 : i32
        %div3A_87 = arith.divsi %add3A_85, %jit3A_86 : i32
        %sign3A_88 = arith.constant 0 : i32
        %sign3A_89 = arith.cmpi sgt, %add3A_85, %sign3A_88 : i32
        %sign3A_90 = arith.extui %sign3A_89 : i1 to i32
        %sign3A_91 = arith.constant 0 : i32
        %sign3A_92 = arith.cmpi slt, %add3A_85, %sign3A_91 : i32
        %sign3A_93 = arith.extui %sign3A_92 : i1 to i32
        %sign3A_94 = arith.subi %sign3A_90, %sign3A_93 : i32
        %sign3A_95 = arith.constant 0 : i32
        %sign3A_96 = arith.cmpi sgt, %jit3A_86, %sign3A_95 : i32
        %sign3A_97 = arith.extui %sign3A_96 : i1 to i32
        %sign3A_98 = arith.constant 0 : i32
        %sign3A_99 = arith.cmpi slt, %jit3A_86, %sign3A_98 : i32
        %sign3A_100 = arith.extui %sign3A_99 : i1 to i32
        %sign3A_101 = arith.subi %sign3A_97, %sign3A_100 : i32
        %ne3A_102 = arith.cmpi ne, %sign3A_94, %sign3A_101 : i32
        %rem3A_103 = arith.remsi %add3A_85, %jit3A_86 : i32
        %ne3A_104 = arith.constant 0 : i32
        %ne3A_105 = arith.cmpi ne, %rem3A_103, %ne3A_104 : i32
        %and3A_106 = arith.andi %ne3A_102, %ne3A_105 : i1
        %sub3A_107 = arith.constant 1 : i32
        %sub3A_108 = arith.subi %div3A_87, %sub3A_107 : i32
        %select_n3A_109 = arith.select %and3A_106, %sub3A_108, %div3A_87 : i32
        %while3A_110 = arith.constant 0 : i32
        %while3A_111 = arith.subi %select_n3A_109, %while3A_110 : i32
        %while3A_112 = arith.addi %while3A_110, %while3A_111 : i32
        %while3A_113 = arith.constant 1 : i32
        %while3A_114 = arith.divsi %while3A_111, %while3A_113 : i32
        %while3A_115 = arith.muli %while3A_114, %while3A_113 : i32
        %while3A_116 = arith.addi %while3A_110, %while3A_115 : i32
        %while3A_117 = arith.constant 1 : i32
        %while3A_118 = scf.for %while3A_121 = %while3A_110 to %while3A_116 step %while3A_117 iter_args(%while3A_122 = %while3A_68) -> (i32)  : i32 {
          %mul3A_123 = arith.constant 16 : i32
          %mul3A_124 = arith.muli %while3A_121, %mul3A_123 : i32
          %add3A_125 = vector.broadcast %mul3A_124 : i32 to vector<16xi32>
          %add3A_126 = arith.addi %add3A_125, %iota3A : vector<16xi32>
          %mul3A_127 = arith.constant 128 : i32
          %mul3A_128 = arith.muli %while3A_67, %mul3A_127 : i32
          %mul3A_129 = arith.constant 16 : i32
          %mul3A_130 = arith.muli %while3A_121, %mul3A_129 : i32
          %add3A_131 = arith.addi %mul3A_128, %mul3A_130 : i32
          %get3A_132 = arith.index_cast %add3A_131 : i32 to index
          %get3A_133 = tpu.vector_load %arg10[%get3A_132] {strides = array<i32>} : memref<3392xi32, #tpu.memory_space<vmem>>, vector<16xi32>,
          %jit3A_134 = arith.constant 4 : i32
          %eq3A = arith.constant 0 : i32
          %eq3A_135 = arith.cmpi eq, %jit3A_134, %eq3A : i32
          %jit3A_136 = arith.constant 1 : i32
          %select_n3A_137 = arith.select %eq3A_135, %jit3A_136, %jit3A_134 : i32
          %rem3A_138 = vector.broadcast %select_n3A_137 : i32 to vector<16xi32>
          %rem3A_139 = arith.remsi %get3A_133, %rem3A_138 : vector<16xi32>
          %ne3A_140 = arith.constant 0 : i32
          %ne3A_141 = vector.broadcast %ne3A_140 : i32 to vector<16xi32>
          %ne3A_142 = arith.cmpi ne, %rem3A_139, %ne3A_141 : vector<16xi32>
          %lt3A = arith.constant 0 : i32
          %lt3A_143 = vector.broadcast %lt3A : i32 to vector<16xi32>
          %lt3A_144 = arith.cmpi slt, %rem3A_139, %lt3A_143 : vector<16xi32>
          %lt3A_145 = arith.constant 0 : i32
          %lt3A_146 = arith.cmpi slt, %select_n3A_137, %lt3A_145 : i32
          %ne3A_147 = vector.broadcast %lt3A_146 : i1 to vector<16xi1>
          %ne3A_148 = vector.broadcast %ne3A_147 : vector<16xi1> to vector<16xi1>
          %ne3A_149 = arith.xori %lt3A_144, %ne3A_148 : vector<16xi1>
          %and3A_150 = arith.andi %ne3A_149, %ne3A_142 : vector<16xi1>
          %add3A_151 = vector.broadcast %select_n3A_137 : i32 to vector<16xi32>
          %add3A_152 = arith.addi %rem3A_139, %add3A_151 : vector<16xi32>
          %select_n3A_153 = arith.select %and3A_150, %add3A_152, %rem3A_139 : vector<16xi1>, vector<16xi32>
          %mul3A_154 = arith.constant 32 : i32
          %mul3A_155 = vector.broadcast %mul3A_154 : i32 to vector<16xi32>
          %mul3A_156 = arith.muli %select_n3A_153, %mul3A_155 : vector<16xi32>
          %mul3A_157 = arith.constant 32 : i32
          %mul3A_158 = vector.broadcast %mul3A_157 : i32 to vector<16xi32>
          %mul3A_159 = arith.muli %get3A_133, %mul3A_158 : vector<16xi32>
          %lt3A_160 = vector.broadcast %min3A_83 : i32 to vector<16xi32>
          %lt3A_161 = arith.cmpi slt, %add3A_126, %lt3A_160 : vector<16xi32>
          %scan3A_162 = arith.constant 0 : i32
          %scan3A_163 = arith.constant 32 : i32
          %scan3A_164 = arith.addi %scan3A_162, %scan3A_163 : i32
          %scan3A_165 = arith.constant 1 : i32
          %scan3A_166 = scf.for %scan3A_168 = %scan3A_162 to %scan3A_164 step %scan3A_165 iter_args(%scan3A_169 = %while3A_122) -> (i32)  : i32 {
            %add3A_170 = vector.broadcast %scan3A_168 : i32 to vector<16xi32>
            %add3A_171 = arith.addi %mul3A_156, %add3A_170 : vector<16xi32>
            %gather3A = tpu.vector_load_idx %arg12[%add3A_126, %add3A_171] : memref<128x128xf32, #tpu.memory_space<vmem>>[vector<16xi32>, vector<16xi32>], vector<16xf32>,
            %add3A_172 = vector.broadcast %scan3A_168 : i32 to vector<16xi32>
            %add3A_173 = arith.addi %mul3A_159, %add3A_172 : vector<16xi32>
            %ge3A = arith.cmpf oge, %gather3A, %get3A_19 : vector<16xf32>
            %and3A_174 = arith.andi %ge3A, %lt3A_161 : vector<16xi1>
            %lt3A_175 = arith.constant 100000 : i32
            %lt3A_176 = vector.broadcast %lt3A_175 : i32 to vector<16xi32>
            %lt3A_177 = arith.cmpi slt, %add3A_173, %lt3A_176 : vector<16xi32>
            %and3A_178 = arith.andi %and3A_174, %lt3A_177 : vector<16xi1>
            %all_reduce_population_count3A = tpu.all_reduce %and3A_178 {dim = 0 : i64, kind = #tpu.reduction_kind<sum>} : vector<16xi1> -> vector<16xi32>
            %slice3A = vector.extract_strided_slice %all_reduce_population_count3A {offsets = [0], sizes = [1], strides = [1]} : vector<16xi32> to vector<1xi32>
            %squeeze3A = vector.extract %slice3A[0] : i32 from vector<1xi32>
            %min3A_179 = arith.constant 1024 : i32
            %min3A_180 = arith.minsi %scan3A_169, %min3A_179 : i32
            %swap3A_181 = arith.index_cast %min3A_180 : i32 to index
            %swap3A_182 = tpu.vector_load %arg13[%swap3A_181] masked %and3A_178 {strides = array<i32>} : memref<1040xi32, #tpu.memory_space<vmem>>, vector<16xi32>, vector<16xi1>
            tpu.vector_store %arg13[%swap3A_181], %add3A_173 masked %and3A_178 {strides = array<i32>} : memref<1040xi32, #tpu.memory_space<vmem>>, vector<16xi32>, vector<16xi1>
            %swap3A_183 = arith.index_cast %min3A_180 : i32 to index
            %swap3A_184 = tpu.vector_load %arg14[%swap3A_183] masked %and3A_178 {strides = array<i32>} : memref<1040xf32, #tpu.memory_space<vmem>>, vector<16xf32>, vector<16xi1>
            tpu.vector_store %arg14[%swap3A_183], %gather3A masked %and3A_178 {strides = array<i32>} : memref<1040xf32, #tpu.memory_space<vmem>>, vector<16xf32>, vector<16xi1>
            %add3A_185 = arith.addi %scan3A_169, %squeeze3A : i32
            scf.yield %add3A_185 : i32
          }
          %scan3A_167 = arith.constant 32 : i32
          scf.yield %scan3A_166 : i32
        }
        %while3A_119 = arith.constant 1 : i32
        %while3A_120 = scf.for %while3A_121 = %while3A_116 to %while3A_112 step %while3A_119 iter_args(%while3A_122 = %while3A_118) -> (i32)  : i32 {
          %mul3A_123 = arith.constant 16 : i32
          %mul3A_124 = arith.muli %while3A_121, %mul3A_123 : i32
          %add3A_125 = vector.broadcast %mul3A_124 : i32 to vector<16xi32>
          %add3A_126 = arith.addi %add3A_125, %iota3A : vector<16xi32>
          %mul3A_127 = arith.constant 128 : i32
          %mul3A_128 = arith.muli %while3A_67, %mul3A_127 : i32
          %mul3A_129 = arith.constant 16 : i32
          %mul3A_130 = arith.muli %while3A_121, %mul3A_129 : i32
          %add3A_131 = arith.addi %mul3A_128, %mul3A_130 : i32
          %get3A_132 = arith.index_cast %add3A_131 : i32 to index
          %get3A_133 = tpu.vector_load %arg10[%get3A_132] {strides = array<i32>} : memref<3392xi32, #tpu.memory_space<vmem>>, vector<16xi32>,
          %jit3A_134 = arith.constant 4 : i32
          %eq3A = arith.constant 0 : i32
          %eq3A_135 = arith.cmpi eq, %jit3A_134, %eq3A : i32
          %jit3A_136 = arith.constant 1 : i32
          %select_n3A_137 = arith.select %eq3A_135, %jit3A_136, %jit3A_134 : i32
          %rem3A_138 = vector.broadcast %select_n3A_137 : i32 to vector<16xi32>
          %rem3A_139 = arith.remsi %get3A_133, %rem3A_138 : vector<16xi32>
          %ne3A_140 = arith.constant 0 : i32
          %ne3A_141 = vector.broadcast %ne3A_140 : i32 to vector<16xi32>
          %ne3A_142 = arith.cmpi ne, %rem3A_139, %ne3A_141 : vector<16xi32>
          %lt3A = arith.constant 0 : i32
          %lt3A_143 = vector.broadcast %lt3A : i32 to vector<16xi32>
          %lt3A_144 = arith.cmpi slt, %rem3A_139, %lt3A_143 : vector<16xi32>
          %lt3A_145 = arith.constant 0 : i32
          %lt3A_146 = arith.cmpi slt, %select_n3A_137, %lt3A_145 : i32
          %ne3A_147 = vector.broadcast %lt3A_146 : i1 to vector<16xi1>
          %ne3A_148 = vector.broadcast %ne3A_147 : vector<16xi1> to vector<16xi1>
          %ne3A_149 = arith.xori %lt3A_144, %ne3A_148 : vector<16xi1>
          %and3A_150 = arith.andi %ne3A_149, %ne3A_142 : vector<16xi1>
          %add3A_151 = vector.broadcast %select_n3A_137 : i32 to vector<16xi32>
          %add3A_152 = arith.addi %rem3A_139, %add3A_151 : vector<16xi32>
          %select_n3A_153 = arith.select %and3A_150, %add3A_152, %rem3A_139 : vector<16xi1>, vector<16xi32>
          %mul3A_154 = arith.constant 32 : i32
          %mul3A_155 = vector.broadcast %mul3A_154 : i32 to vector<16xi32>
          %mul3A_156 = arith.muli %select_n3A_153, %mul3A_155 : vector<16xi32>
          %mul3A_157 = arith.constant 32 : i32
          %mul3A_158 = vector.broadcast %mul3A_157 : i32 to vector<16xi32>
          %mul3A_159 = arith.muli %get3A_133, %mul3A_158 : vector<16xi32>
          %lt3A_160 = vector.broadcast %min3A_83 : i32 to vector<16xi32>
          %lt3A_161 = arith.cmpi slt, %add3A_126, %lt3A_160 : vector<16xi32>
          %scan3A_162 = arith.constant 0 : i32
          %scan3A_163 = arith.constant 32 : i32
          %scan3A_164 = arith.addi %scan3A_162, %scan3A_163 : i32
          %scan3A_165 = arith.constant 1 : i32
          %scan3A_166 = scf.for %scan3A_168 = %scan3A_162 to %scan3A_164 step %scan3A_165 iter_args(%scan3A_169 = %while3A_122) -> (i32)  : i32 {
            %add3A_170 = vector.broadcast %scan3A_168 : i32 to vector<16xi32>
            %add3A_171 = arith.addi %mul3A_156, %add3A_170 : vector<16xi32>
            %gather3A = tpu.vector_load_idx %arg12[%add3A_126, %add3A_171] : memref<128x128xf32, #tpu.memory_space<vmem>>[vector<16xi32>, vector<16xi32>], vector<16xf32>,
            %add3A_172 = vector.broadcast %scan3A_168 : i32 to vector<16xi32>
            %add3A_173 = arith.addi %mul3A_159, %add3A_172 : vector<16xi32>
            %ge3A = arith.cmpf oge, %gather3A, %get3A_19 : vector<16xf32>
            %and3A_174 = arith.andi %ge3A, %lt3A_161 : vector<16xi1>
            %lt3A_175 = arith.constant 100000 : i32
            %lt3A_176 = vector.broadcast %lt3A_175 : i32 to vector<16xi32>
            %lt3A_177 = arith.cmpi slt, %add3A_173, %lt3A_176 : vector<16xi32>
            %and3A_178 = arith.andi %and3A_174, %lt3A_177 : vector<16xi1>
            %all_reduce_population_count3A = tpu.all_reduce %and3A_178 {dim = 0 : i64, kind = #tpu.reduction_kind<sum>} : vector<16xi1> -> vector<16xi32>
            %slice3A = vector.extract_strided_slice %all_reduce_population_count3A {offsets = [0], sizes = [1], strides = [1]} : vector<16xi32> to vector<1xi32>
            %squeeze3A = vector.extract %slice3A[0] : i32 from vector<1xi32>
            %min3A_179 = arith.constant 1024 : i32
            %min3A_180 = arith.minsi %scan3A_169, %min3A_179 : i32
            %swap3A_181 = arith.index_cast %min3A_180 : i32 to index
            %swap3A_182 = tpu.vector_load %arg13[%swap3A_181] masked %and3A_178 {strides = array<i32>} : memref<1040xi32, #tpu.memory_space<vmem>>, vector<16xi32>, vector<16xi1>
            tpu.vector_store %arg13[%swap3A_181], %add3A_173 masked %and3A_178 {strides = array<i32>} : memref<1040xi32, #tpu.memory_space<vmem>>, vector<16xi32>, vector<16xi1>
            %swap3A_183 = arith.index_cast %min3A_180 : i32 to index
            %swap3A_184 = tpu.vector_load %arg14[%swap3A_183] masked %and3A_178 {strides = array<i32>} : memref<1040xf32, #tpu.memory_space<vmem>>, vector<16xf32>, vector<16xi1>
            tpu.vector_store %arg14[%swap3A_183], %gather3A masked %and3A_178 {strides = array<i32>} : memref<1040xf32, #tpu.memory_space<vmem>>, vector<16xf32>, vector<16xi1>
            %add3A_185 = arith.addi %scan3A_169, %squeeze3A : i32
            scf.yield %add3A_185 : i32
          }
          %scan3A_167 = arith.constant 32 : i32
          scf.yield %scan3A_166 : i32
        }
        scf.yield %while3A_120 : i32
      }
      %while3A_63 = arith.constant 1 : i32
      %while3A_64 = scf.for %while3A_67 = %while3A_60 to %while3A_56 step %while3A_63 iter_args(%while3A_68 = %while3A_62) -> (i32)  : i32 {
        %scan3A_69 = arith.constant 0 : i32
        %scan3A_70 = arith.constant 0 : i32
        %scan3A_71 = arith.constant 8 : i32
        %scan3A_72 = arith.addi %scan3A_70, %scan3A_71 : i32
        %scan3A_73 = arith.constant 1 : i32
        %scan3A_74 = scf.for %scan3A_121 = %scan3A_70 to %scan3A_72 step %scan3A_73 iter_args(%scan3A_122 = %scan3A_69) -> (i32)  : i32 {
          %mul3A_123 = arith.constant 128 : i32
          %mul3A_124 = arith.muli %while3A_67, %mul3A_123 : i32
          %mul3A_125 = arith.constant 16 : i32
          %mul3A_126 = arith.muli %scan3A_121, %mul3A_125 : i32
          %add3A_127 = arith.addi %mul3A_124, %mul3A_126 : i32
          %get3A_128 = arith.index_cast %add3A_127 : i32 to index
          %get3A_129 = tpu.vector_load %arg10[%get3A_128] {strides = array<i32>} : memref<3392xi32, #tpu.memory_space<vmem>>, vector<16xi32>,
          %jit3A_130 = arith.constant 4 : i32
          %div3A_131 = vector.broadcast %jit3A_130 : i32 to vector<16xi32>
          %div3A_132 = arith.divsi %get3A_129, %div3A_131 : vector<16xi32>
          %sign3A_133 = arith.constant 0 : i32
          %sign3A_134 = vector.broadcast %sign3A_133 : i32 to vector<16xi32>
          %sign3A_135 = arith.cmpi sgt, %get3A_129, %sign3A_134 : vector<16xi32>
          %sign3A_136 = arith.extui %sign3A_135 : vector<16xi1> to vector<16xi32>
          %sign3A_137 = arith.constant 0 : i32
          %sign3A_138 = vector.broadcast %sign3A_137 : i32 to vector<16xi32>
          %sign3A_139 = arith.cmpi slt, %get3A_129, %sign3A_138 : vector<16xi32>
          %sign3A_140 = arith.extui %sign3A_139 : vector<16xi1> to vector<16xi32>
          %sign3A_141 = arith.subi %sign3A_136, %sign3A_140 : vector<16xi32>
          %sign3A_142 = arith.constant 0 : i32
          %sign3A_143 = arith.cmpi sgt, %jit3A_130, %sign3A_142 : i32
          %sign3A_144 = arith.extui %sign3A_143 : i1 to i32
          %sign3A_145 = arith.constant 0 : i32
          %sign3A_146 = arith.cmpi slt, %jit3A_130, %sign3A_145 : i32
          %sign3A_147 = arith.extui %sign3A_146 : i1 to i32
          %sign3A_148 = arith.subi %sign3A_144, %sign3A_147 : i32
          %ne3A_149 = vector.broadcast %sign3A_148 : i32 to vector<16xi32>
          %ne3A_150 = arith.cmpi ne, %sign3A_141, %ne3A_149 : vector<16xi32>
          %rem3A_151 = vector.broadcast %jit3A_130 : i32 to vector<16xi32>
          %rem3A_152 = arith.remsi %get3A_129, %rem3A_151 : vector<16xi32>
          %ne3A_153 = arith.constant 0 : i32
          %ne3A_154 = vector.broadcast %ne3A_153 : i32 to vector<16xi32>
          %ne3A_155 = arith.cmpi ne, %rem3A_152, %ne3A_154 : vector<16xi32>
          %and3A_156 = arith.andi %ne3A_150, %ne3A_155 : vector<16xi1>
          %sub3A_157 = arith.constant 1 : i32
          %sub3A_158 = vector.broadcast %sub3A_157 : i32 to vector<16xi32>
          %sub3A_159 = arith.subi %div3A_132, %sub3A_158 : vector<16xi32>
          %select_n3A_160 = arith.select %and3A_156, %sub3A_159, %div3A_132 : vector<16xi1>, vector<16xi32>
          %add3A_161 = vector.broadcast %mul3A_17 : i32 to vector<16xi32>
          %add3A_162 = arith.addi %add3A_161, %select_n3A_160 : vector<16xi32>
          %mul3A_163 = arith.constant 16 : i32
          %mul3A_164 = arith.muli %scan3A_121, %mul3A_163 : i32
          %swap3A_165 = arith.index_cast %mul3A_164 : i32 to index
          %swap3A_166 = tpu.vector_load %arg11[%swap3A_165] {strides = array<i32>} : memref<128xi32, #tpu.memory_space<vmem>>, vector<16xi32>,
          tpu.vector_store %arg11[%swap3A_165], %add3A_162 {strides = array<i32>} : memref<128xi32, #tpu.memory_space<vmem>>, vector<16xi32>,
          %scan3A_167 = arith.constant 0 : i32
          scf.yield %scan3A_167 : i32
        }
        %scan3A_75 = arith.constant 8 : i32
        %dma_start3A = arith.constant 0 : i32
        %dma_start3A_76 = arith.constant 0 : i32
        %dma_start3A_77 = tpu.memref_slice %arg2[%dma_start3A, %dma_start3A_76] : memref<100352x128xf32, #tpu.memory_space<hbm>> -> memref<100352x128xf32, #tpu.memory_space<hbm>>
        tpu.enqueue_indirect_dma source(%dma_start3A_77 : memref<100352x128xf32, #tpu.memory_space<hbm>>) target(%arg12 : memref<128x128xf32, #tpu.memory_space<vmem>>) offsets(%arg11 : memref<128xi32, #tpu.memory_space<vmem>>) semaphore(%arg16 : memref<!tpu.dma_semaphore, #tpu.memory_space<semaphore_mem>>)
        %dma_wait3A = arith.constant 0 : i32
        %dma_wait3A_78 = arith.constant 0 : i32
        %dma_wait3A_79 = tpu.memref_slice %arg2[%dma_wait3A, %dma_wait3A_78] : memref<100352x128xf32, #tpu.memory_space<hbm>> -> memref<100352x128xf32, #tpu.memory_space<hbm>>
        tpu.wait_indirect_dma semaphore(%arg16 : memref<!tpu.dma_semaphore, #tpu.memory_space<semaphore_mem>>) src(%dma_wait3A_79 : memref<100352x128xf32, #tpu.memory_space<hbm>>) dst(%arg12 : memref<128x128xf32, #tpu.memory_space<vmem>>)
        %mul3A_80 = arith.constant 128 : i32
        %mul3A_81 = arith.muli %while3A_67, %mul3A_80 : i32
        %sub3A_82 = arith.subi %scan3A_25, %mul3A_81 : i32
        %min3A = arith.constant 128 : i32
        %min3A_83 = arith.minsi %sub3A_82, %min3A : i32
        %add3A_84 = arith.constant 15 : i32
        %add3A_85 = arith.addi %min3A_83, %add3A_84 : i32
        %jit3A_86 = arith.constant 16 : i32
        %div3A_87 = arith.divsi %add3A_85, %jit3A_86 : i32
        %sign3A_88 = arith.constant 0 : i32
        %sign3A_89 = arith.cmpi sgt, %add3A_85, %sign3A_88 : i32
        %sign3A_90 = arith.extui %sign3A_89 : i1 to i32
        %sign3A_91 = arith.constant 0 : i32
        %sign3A_92 = arith.cmpi slt, %add3A_85, %sign3A_91 : i32
        %sign3A_93 = arith.extui %sign3A_92 : i1 to i32
        %sign3A_94 = arith.subi %sign3A_90, %sign3A_93 : i32
        %sign3A_95 = arith.constant 0 : i32
        %sign3A_96 = arith.cmpi sgt, %jit3A_86, %sign3A_95 : i32
        %sign3A_97 = arith.extui %sign3A_96 : i1 to i32
        %sign3A_98 = arith.constant 0 : i32
        %sign3A_99 = arith.cmpi slt, %jit3A_86, %sign3A_98 : i32
        %sign3A_100 = arith.extui %sign3A_99 : i1 to i32
        %sign3A_101 = arith.subi %sign3A_97, %sign3A_100 : i32
        %ne3A_102 = arith.cmpi ne, %sign3A_94, %sign3A_101 : i32
        %rem3A_103 = arith.remsi %add3A_85, %jit3A_86 : i32
        %ne3A_104 = arith.constant 0 : i32
        %ne3A_105 = arith.cmpi ne, %rem3A_103, %ne3A_104 : i32
        %and3A_106 = arith.andi %ne3A_102, %ne3A_105 : i1
        %sub3A_107 = arith.constant 1 : i32
        %sub3A_108 = arith.subi %div3A_87, %sub3A_107 : i32
        %select_n3A_109 = arith.select %and3A_106, %sub3A_108, %div3A_87 : i32
        %while3A_110 = arith.constant 0 : i32
        %while3A_111 = arith.subi %select_n3A_109, %while3A_110 : i32
        %while3A_112 = arith.addi %while3A_110, %while3A_111 : i32
        %while3A_113 = arith.constant 1 : i32
        %while3A_114 = arith.divsi %while3A_111, %while3A_113 : i32
        %while3A_115 = arith.muli %while3A_114, %while3A_113 : i32
        %while3A_116 = arith.addi %while3A_110, %while3A_115 : i32
        %while3A_117 = arith.constant 1 : i32
        %while3A_118 = scf.for %while3A_121 = %while3A_110 to %while3A_116 step %while3A_117 iter_args(%while3A_122 = %while3A_68) -> (i32)  : i32 {
          %mul3A_123 = arith.constant 16 : i32
          %mul3A_124 = arith.muli %while3A_121, %mul3A_123 : i32
          %add3A_125 = vector.broadcast %mul3A_124 : i32 to vector<16xi32>
          %add3A_126 = arith.addi %add3A_125, %iota3A : vector<16xi32>
          %mul3A_127 = arith.constant 128 : i32
          %mul3A_128 = arith.muli %while3A_67, %mul3A_127 : i32
          %mul3A_129 = arith.constant 16 : i32
          %mul3A_130 = arith.muli %while3A_121, %mul3A_129 : i32
          %add3A_131 = arith.addi %mul3A_128, %mul3A_130 : i32
          %get3A_132 = arith.index_cast %add3A_131 : i32 to index
          %get3A_133 = tpu.vector_load %arg10[%get3A_132] {strides = array<i32>} : memref<3392xi32, #tpu.memory_space<vmem>>, vector<16xi32>,
          %jit3A_134 = arith.constant 4 : i32
          %eq3A = arith.constant 0 : i32
          %eq3A_135 = arith.cmpi eq, %jit3A_134, %eq3A : i32
          %jit3A_136 = arith.constant 1 : i32
          %select_n3A_137 = arith.select %eq3A_135, %jit3A_136, %jit3A_134 : i32
          %rem3A_138 = vector.broadcast %select_n3A_137 : i32 to vector<16xi32>
          %rem3A_139 = arith.remsi %get3A_133, %rem3A_138 : vector<16xi32>
          %ne3A_140 = arith.constant 0 : i32
          %ne3A_141 = vector.broadcast %ne3A_140 : i32 to vector<16xi32>
          %ne3A_142 = arith.cmpi ne, %rem3A_139, %ne3A_141 : vector<16xi32>
          %lt3A = arith.constant 0 : i32
          %lt3A_143 = vector.broadcast %lt3A : i32 to vector<16xi32>
          %lt3A_144 = arith.cmpi slt, %rem3A_139, %lt3A_143 : vector<16xi32>
          %lt3A_145 = arith.constant 0 : i32
          %lt3A_146 = arith.cmpi slt, %select_n3A_137, %lt3A_145 : i32
          %ne3A_147 = vector.broadcast %lt3A_146 : i1 to vector<16xi1>
          %ne3A_148 = vector.broadcast %ne3A_147 : vector<16xi1> to vector<16xi1>
          %ne3A_149 = arith.xori %lt3A_144, %ne3A_148 : vector<16xi1>
          %and3A_150 = arith.andi %ne3A_149, %ne3A_142 : vector<16xi1>
          %add3A_151 = vector.broadcast %select_n3A_137 : i32 to vector<16xi32>
          %add3A_152 = arith.addi %rem3A_139, %add3A_151 : vector<16xi32>
          %select_n3A_153 = arith.select %and3A_150, %add3A_152, %rem3A_139 : vector<16xi1>, vector<16xi32>
          %mul3A_154 = arith.constant 32 : i32
          %mul3A_155 = vector.broadcast %mul3A_154 : i32 to vector<16xi32>
          %mul3A_156 = arith.muli %select_n3A_153, %mul3A_155 : vector<16xi32>
          %mul3A_157 = arith.constant 32 : i32
          %mul3A_158 = vector.broadcast %mul3A_157 : i32 to vector<16xi32>
          %mul3A_159 = arith.muli %get3A_133, %mul3A_158 : vector<16xi32>
          %lt3A_160 = vector.broadcast %min3A_83 : i32 to vector<16xi32>
          %lt3A_161 = arith.cmpi slt, %add3A_126, %lt3A_160 : vector<16xi32>
          %scan3A_162 = arith.constant 0 : i32
          %scan3A_163 = arith.constant 32 : i32
          %scan3A_164 = arith.addi %scan3A_162, %scan3A_163 : i32
          %scan3A_165 = arith.constant 1 : i32
          %scan3A_166 = scf.for %scan3A_168 = %scan3A_162 to %scan3A_164 step %scan3A_165 iter_args(%scan3A_169 = %while3A_122) -> (i32)  : i32 {
            %add3A_170 = vector.broadcast %scan3A_168 : i32 to vector<16xi32>
            %add3A_171 = arith.addi %mul3A_156, %add3A_170 : vector<16xi32>
            %gather3A = tpu.vector_load_idx %arg12[%add3A_126, %add3A_171] : memref<128x128xf32, #tpu.memory_space<vmem>>[vector<16xi32>, vector<16xi32>], vector<16xf32>,
            %add3A_172 = vector.broadcast %scan3A_168 : i32 to vector<16xi32>
            %add3A_173 = arith.addi %mul3A_159, %add3A_172 : vector<16xi32>
            %ge3A = arith.cmpf oge, %gather3A, %get3A_19 : vector<16xf32>
            %and3A_174 = arith.andi %ge3A, %lt3A_161 : vector<16xi1>
            %lt3A_175 = arith.constant 100000 : i32
            %lt3A_176 = vector.broadcast %lt3A_175 : i32 to vector<16xi32>
            %lt3A_177 = arith.cmpi slt, %add3A_173, %lt3A_176 : vector<16xi32>
            %and3A_178 = arith.andi %and3A_174, %lt3A_177 : vector<16xi1>
            %all_reduce_population_count3A = tpu.all_reduce %and3A_178 {dim = 0 : i64, kind = #tpu.reduction_kind<sum>} : vector<16xi1> -> vector<16xi32>
            %slice3A = vector.extract_strided_slice %all_reduce_population_count3A {offsets = [0], sizes = [1], strides = [1]} : vector<16xi32> to vector<1xi32>
            %squeeze3A = vector.extract %slice3A[0] : i32 from vector<1xi32>
            %min3A_179 = arith.constant 1024 : i32
            %min3A_180 = arith.minsi %scan3A_169, %min3A_179 : i32
            %swap3A_181 = arith.index_cast %min3A_180 : i32 to index
            %swap3A_182 = tpu.vector_load %arg13[%swap3A_181] masked %and3A_178 {strides = array<i32>} : memref<1040xi32, #tpu.memory_space<vmem>>, vector<16xi32>, vector<16xi1>
            tpu.vector_store %arg13[%swap3A_181], %add3A_173 masked %and3A_178 {strides = array<i32>} : memref<1040xi32, #tpu.memory_space<vmem>>, vector<16xi32>, vector<16xi1>
            %swap3A_183 = arith.index_cast %min3A_180 : i32 to index
            %swap3A_184 = tpu.vector_load %arg14[%swap3A_183] masked %and3A_178 {strides = array<i32>} : memref<1040xf32, #tpu.memory_space<vmem>>, vector<16xf32>, vector<16xi1>
            tpu.vector_store %arg14[%swap3A_183], %gather3A masked %and3A_178 {strides = array<i32>} : memref<1040xf32, #tpu.memory_space<vmem>>, vector<16xf32>, vector<16xi1>
            %add3A_185 = arith.addi %scan3A_169, %squeeze3A : i32
            scf.yield %add3A_185 : i32
          }
          %scan3A_167 = arith.constant 32 : i32
          scf.yield %scan3A_166 : i32
        }
        %while3A_119 = arith.constant 1 : i32
        %while3A_120 = scf.for %while3A_121 = %while3A_116 to %while3A_112 step %while3A_119 iter_args(%while3A_122 = %while3A_118) -> (i32)  : i32 {
          %mul3A_123 = arith.constant 16 : i32
          %mul3A_124 = arith.muli %while3A_121, %mul3A_123 : i32
          %add3A_125 = vector.broadcast %mul3A_124 : i32 to vector<16xi32>
          %add3A_126 = arith.addi %add3A_125, %iota3A : vector<16xi32>
          %mul3A_127 = arith.constant 128 : i32
          %mul3A_128 = arith.muli %while3A_67, %mul3A_127 : i32
          %mul3A_129 = arith.constant 16 : i32
          %mul3A_130 = arith.muli %while3A_121, %mul3A_129 : i32
          %add3A_131 = arith.addi %mul3A_128, %mul3A_130 : i32
          %get3A_132 = arith.index_cast %add3A_131 : i32 to index
          %get3A_133 = tpu.vector_load %arg10[%get3A_132] {strides = array<i32>} : memref<3392xi32, #tpu.memory_space<vmem>>, vector<16xi32>,
          %jit3A_134 = arith.constant 4 : i32
          %eq3A = arith.constant 0 : i32
          %eq3A_135 = arith.cmpi eq, %jit3A_134, %eq3A : i32
          %jit3A_136 = arith.constant 1 : i32
          %select_n3A_137 = arith.select %eq3A_135, %jit3A_136, %jit3A_134 : i32
          %rem3A_138 = vector.broadcast %select_n3A_137 : i32 to vector<16xi32>
          %rem3A_139 = arith.remsi %get3A_133, %rem3A_138 : vector<16xi32>
          %ne3A_140 = arith.constant 0 : i32
          %ne3A_141 = vector.broadcast %ne3A_140 : i32 to vector<16xi32>
          %ne3A_142 = arith.cmpi ne, %rem3A_139, %ne3A_141 : vector<16xi32>
          %lt3A = arith.constant 0 : i32
          %lt3A_143 = vector.broadcast %lt3A : i32 to vector<16xi32>
          %lt3A_144 = arith.cmpi slt, %rem3A_139, %lt3A_143 : vector<16xi32>
          %lt3A_145 = arith.constant 0 : i32
          %lt3A_146 = arith.cmpi slt, %select_n3A_137, %lt3A_145 : i32
          %ne3A_147 = vector.broadcast %lt3A_146 : i1 to vector<16xi1>
          %ne3A_148 = vector.broadcast %ne3A_147 : vector<16xi1> to vector<16xi1>
          %ne3A_149 = arith.xori %lt3A_144, %ne3A_148 : vector<16xi1>
          %and3A_150 = arith.andi %ne3A_149, %ne3A_142 : vector<16xi1>
          %add3A_151 = vector.broadcast %select_n3A_137 : i32 to vector<16xi32>
          %add3A_152 = arith.addi %rem3A_139, %add3A_151 : vector<16xi32>
          %select_n3A_153 = arith.select %and3A_150, %add3A_152, %rem3A_139 : vector<16xi1>, vector<16xi32>
          %mul3A_154 = arith.constant 32 : i32
          %mul3A_155 = vector.broadcast %mul3A_154 : i32 to vector<16xi32>
          %mul3A_156 = arith.muli %select_n3A_153, %mul3A_155 : vector<16xi32>
          %mul3A_157 = arith.constant 32 : i32
          %mul3A_158 = vector.broadcast %mul3A_157 : i32 to vector<16xi32>
          %mul3A_159 = arith.muli %get3A_133, %mul3A_158 : vector<16xi32>
          %lt3A_160 = vector.broadcast %min3A_83 : i32 to vector<16xi32>
          %lt3A_161 = arith.cmpi slt, %add3A_126, %lt3A_160 : vector<16xi32>
          %scan3A_162 = arith.constant 0 : i32
          %scan3A_163 = arith.constant 32 : i32
          %scan3A_164 = arith.addi %scan3A_162, %scan3A_163 : i32
          %scan3A_165 = arith.constant 1 : i32
          %scan3A_166 = scf.for %scan3A_168 = %scan3A_162 to %scan3A_164 step %scan3A_165 iter_args(%scan3A_169 = %while3A_122) -> (i32)  : i32 {
            %add3A_170 = vector.broadcast %scan3A_168 : i32 to vector<16xi32>
            %add3A_171 = arith.addi %mul3A_156, %add3A_170 : vector<16xi32>
            %gather3A = tpu.vector_load_idx %arg12[%add3A_126, %add3A_171] : memref<128x128xf32, #tpu.memory_space<vmem>>[vector<16xi32>, vector<16xi32>], vector<16xf32>,
            %add3A_172 = vector.broadcast %scan3A_168 : i32 to vector<16xi32>
            %add3A_173 = arith.addi %mul3A_159, %add3A_172 : vector<16xi32>
            %ge3A = arith.cmpf oge, %gather3A, %get3A_19 : vector<16xf32>
            %and3A_174 = arith.andi %ge3A, %lt3A_161 : vector<16xi1>
            %lt3A_175 = arith.constant 100000 : i32
            %lt3A_176 = vector.broadcast %lt3A_175 : i32 to vector<16xi32>
            %lt3A_177 = arith.cmpi slt, %add3A_173, %lt3A_176 : vector<16xi32>
            %and3A_178 = arith.andi %and3A_174, %lt3A_177 : vector<16xi1>
            %all_reduce_population_count3A = tpu.all_reduce %and3A_178 {dim = 0 : i64, kind = #tpu.reduction_kind<sum>} : vector<16xi1> -> vector<16xi32>
            %slice3A = vector.extract_strided_slice %all_reduce_population_count3A {offsets = [0], sizes = [1], strides = [1]} : vector<16xi32> to vector<1xi32>
            %squeeze3A = vector.extract %slice3A[0] : i32 from vector<1xi32>
            %min3A_179 = arith.constant 1024 : i32
            %min3A_180 = arith.minsi %scan3A_169, %min3A_179 : i32
            %swap3A_181 = arith.index_cast %min3A_180 : i32 to index
            %swap3A_182 = tpu.vector_load %arg13[%swap3A_181] masked %and3A_178 {strides = array<i32>} : memref<1040xi32, #tpu.memory_space<vmem>>, vector<16xi32>, vector<16xi1>
            tpu.vector_store %arg13[%swap3A_181], %add3A_173 masked %and3A_178 {strides = array<i32>} : memref<1040xi32, #tpu.memory_space<vmem>>, vector<16xi32>, vector<16xi1>
            %swap3A_183 = arith.index_cast %min3A_180 : i32 to index
            %swap3A_184 = tpu.vector_load %arg14[%swap3A_183] masked %and3A_178 {strides = array<i32>} : memref<1040xf32, #tpu.memory_space<vmem>>, vector<16xf32>, vector<16xi1>
            tpu.vector_store %arg14[%swap3A_183], %gather3A masked %and3A_178 {strides = array<i32>} : memref<1040xf32, #tpu.memory_space<vmem>>, vector<16xf32>, vector<16xi1>
            %add3A_185 = arith.addi %scan3A_169, %squeeze3A : i32
            scf.yield %add3A_185 : i32
          }
          %scan3A_167 = arith.constant 32 : i32
          scf.yield %scan3A_166 : i32
        }
        scf.yield %while3A_120 : i32
      }
      "tpu.region"() ({
        %run_scoped3A = tpu.sem_alloc : memref<!tpu.dma_semaphore, #tpu.memory_space<semaphore_mem>>
        %dma_start3A = arith.constant 0 : i32
        %dma_start3A_67 = tpu.memref_slice %arg13[%dma_start3A] : memref<1040xi32, #tpu.memory_space<vmem>> -> memref<1024xi32, #tpu.memory_space<vmem>>
        %dma_start3A_68 = arith.constant 0 : i32
        %dma_start3A_69 = tpu.memref_slice %arg5[%add3A_15, %dma_start3A_68] : memref<128x1024xi32, #tpu.memory_space<hbm>> -> memref<1x1024xi32, #tpu.memory_space<hbm>>
        %dma_start3A_70 = tpu.memref_squeeze %dma_start3A_69 : memref<1x1024xi32, #tpu.memory_space<hbm>> -> memref<1024xi32, #tpu.memory_space<hbm>>
        %dma_start3A_71 = arith.constant 0 : i32
        %dma_start3A_72 = tpu.memref_slice %arg5[%add3A_15, %dma_start3A_71] : memref<128x1024xi32, #tpu.memory_space<hbm>> -> memref<1x1024xi32, #tpu.memory_space<hbm>>
        %dma_start3A_73 = tpu.memref_squeeze %dma_start3A_72 : memref<1x1024xi32, #tpu.memory_space<hbm>> -> memref<1024xi32, #tpu.memory_space<hbm>>
        %dma_start3A_74 = arith.constant 0 : i32
        %dma_start3A_75 = tpu.memref_slice %arg13[%dma_start3A_74] : memref<1040xi32, #tpu.memory_space<vmem>> -> memref<1024xi32, #tpu.memory_space<vmem>>
        tpu.enqueue_dma source(%dma_start3A_75 : memref<1024xi32, #tpu.memory_space<vmem>>) target(%dma_start3A_73 : memref<1024xi32, #tpu.memory_space<hbm>>) target_semaphore(%run_scoped3A : memref<!tpu.dma_semaphore, #tpu.memory_space<semaphore_mem>>)
        %dma_wait3A = arith.constant 0 : i32
        %dma_wait3A_76 = tpu.memref_slice %arg13[%dma_wait3A] : memref<1040xi32, #tpu.memory_space<vmem>> -> memref<1024xi32, #tpu.memory_space<vmem>>
        %dma_wait3A_77 = arith.constant 0 : i32
        %dma_wait3A_78 = tpu.memref_slice %arg5[%add3A_15, %dma_wait3A_77] : memref<128x1024xi32, #tpu.memory_space<hbm>> -> memref<1x1024xi32, #tpu.memory_space<hbm>>
        %dma_wait3A_79 = tpu.memref_squeeze %dma_wait3A_78 : memref<1x1024xi32, #tpu.memory_space<hbm>> -> memref<1024xi32, #tpu.memory_space<hbm>>
        %dma_wait3A_80 = arith.constant 0 : i32
        %dma_wait3A_81 = tpu.memref_slice %arg5[%add3A_15, %dma_wait3A_80] : memref<128x1024xi32, #tpu.memory_space<hbm>> -> memref<1x1024xi32, #tpu.memory_space<hbm>>
        %dma_wait3A_82 = tpu.memref_squeeze %dma_wait3A_81 : memref<1x1024xi32, #tpu.memory_space<hbm>> -> memref<1024xi32, #tpu.memory_space<hbm>>
        %dma_wait3A_83 = arith.constant 0 : i32
        %dma_wait3A_84 = tpu.memref_slice %arg13[%dma_wait3A_83] : memref<1040xi32, #tpu.memory_space<vmem>> -> memref<1024xi32, #tpu.memory_space<vmem>>
        tpu.wait_dma2 semaphore(%run_scoped3A : memref<!tpu.dma_semaphore, #tpu.memory_space<semaphore_mem>>) src(%dma_wait3A_84 : memref<1024xi32, #tpu.memory_space<vmem>>) dst(%dma_wait3A_82 : memref<1024xi32, #tpu.memory_space<hbm>>)
        tpu.yield
      }) : () -> ()
      "tpu.region"() ({
        %run_scoped3A = tpu.sem_alloc : memref<!tpu.dma_semaphore, #tpu.memory_space<semaphore_mem>>
        %dma_start3A = arith.constant 0 : i32
        %dma_start3A_67 = tpu.memref_slice %arg14[%dma_start3A] : memref<1040xf32, #tpu.memory_space<vmem>> -> memref<1024xf32, #tpu.memory_space<vmem>>
        %dma_start3A_68 = arith.constant 0 : i32
        %dma_start3A_69 = tpu.memref_slice %arg6[%add3A_15, %dma_start3A_68] : memref<128x1024xf32, #tpu.memory_space<hbm>> -> memref<1x1024xf32, #tpu.memory_space<hbm>>
        %dma_start3A_70 = tpu.memref_squeeze %dma_start3A_69 : memref<1x1024xf32, #tpu.memory_space<hbm>> -> memref<1024xf32, #tpu.memory_space<hbm>>
        %dma_start3A_71 = arith.constant 0 : i32
        %dma_start3A_72 = tpu.memref_slice %arg6[%add3A_15, %dma_start3A_71] : memref<128x1024xf32, #tpu.memory_space<hbm>> -> memref<1x1024xf32, #tpu.memory_space<hbm>>
        %dma_start3A_73 = tpu.memref_squeeze %dma_start3A_72 : memref<1x1024xf32, #tpu.memory_space<hbm>> -> memref<1024xf32, #tpu.memory_space<hbm>>
        %dma_start3A_74 = arith.constant 0 : i32
        %dma_start3A_75 = tpu.memref_slice %arg14[%dma_start3A_74] : memref<1040xf32, #tpu.memory_space<vmem>> -> memref<1024xf32, #tpu.memory_space<vmem>>
        tpu.enqueue_dma source(%dma_start3A_75 : memref<1024xf32, #tpu.memory_space<vmem>>) target(%dma_start3A_73 : memref<1024xf32, #tpu.memory_space<hbm>>) target_semaphore(%run_scoped3A : memref<!tpu.dma_semaphore, #tpu.memory_space<semaphore_mem>>)
        %dma_wait3A = arith.constant 0 : i32
        %dma_wait3A_76 = tpu.memref_slice %arg14[%dma_wait3A] : memref<1040xf32, #tpu.memory_space<vmem>> -> memref<1024xf32, #tpu.memory_space<vmem>>
        %dma_wait3A_77 = arith.constant 0 : i32
        %dma_wait3A_78 = tpu.memref_slice %arg6[%add3A_15, %dma_wait3A_77] : memref<128x1024xf32, #tpu.memory_space<hbm>> -> memref<1x1024xf32, #tpu.memory_space<hbm>>
        %dma_wait3A_79 = tpu.memref_squeeze %dma_wait3A_78 : memref<1x1024xf32, #tpu.memory_space<hbm>> -> memref<1024xf32, #tpu.memory_space<hbm>>
        %dma_wait3A_80 = arith.constant 0 : i32
        %dma_wait3A_81 = tpu.memref_slice %arg6[%add3A_15, %dma_wait3A_80] : memref<128x1024xf32, #tpu.memory_space<hbm>> -> memref<1x1024xf32, #tpu.memory_space<hbm>>
        %dma_wait3A_82 = tpu.memref_squeeze %dma_wait3A_81 : memref<1x1024xf32, #tpu.memory_space<hbm>> -> memref<1024xf32, #tpu.memory_space<hbm>>
        %dma_wait3A_83 = arith.constant 0 : i32
        %dma_wait3A_84 = tpu.memref_slice %arg14[%dma_wait3A_83] : memref<1040xf32, #tpu.memory_space<vmem>> -> memref<1024xf32, #tpu.memory_space<vmem>>
        tpu.wait_dma2 semaphore(%run_scoped3A : memref<!tpu.dma_semaphore, #tpu.memory_space<semaphore_mem>>) src(%dma_wait3A_84 : memref<1024xf32, #tpu.memory_space<vmem>>) dst(%dma_wait3A_82 : memref<1024xf32, #tpu.memory_space<hbm>>)
        tpu.yield
      }) : () -> ()
      %broadcast_in_dim3A = vector.broadcast %while3A_64 : i32 to vector<16xi32>
      %swap3A = arith.constant 0 : index
      %swap3A_65 = tpu.vector_load %arg15[%swap3A] {strides = array<i32>} : memref<16xi32, #tpu.memory_space<vmem>>, vector<16xi32>,
      tpu.vector_store %arg15[%swap3A], %broadcast_in_dim3A {strides = array<i32>} : memref<16xi32, #tpu.memory_space<vmem>>, vector<16xi32>,
      "tpu.region"() ({
        %run_scoped3A = tpu.sem_alloc : memref<!tpu.dma_semaphore, #tpu.memory_space<semaphore_mem>>
        %dma_start3A = arith.constant 0 : i32
        %dma_start3A_67 = tpu.memref_slice %arg7[%add3A_15, %dma_start3A] : memref<128x16xi32, #tpu.memory_space<hbm>> -> memref<1x16xi32, #tpu.memory_space<hbm>>
        %dma_start3A_68 = tpu.memref_squeeze %dma_start3A_67 : memref<1x16xi32, #tpu.memory_space<hbm>> -> memref<16xi32, #tpu.memory_space<hbm>>
        %dma_start3A_69 = arith.constant 0 : i32
        %dma_start3A_70 = tpu.memref_slice %arg7[%add3A_15, %dma_start3A_69] : memref<128x16xi32, #tpu.memory_space<hbm>> -> memref<1x16xi32, #tpu.memory_space<hbm>>
        %dma_start3A_71 = tpu.memref_squeeze %dma_start3A_70 : memref<1x16xi32, #tpu.memory_space<hbm>> -> memref<16xi32, #tpu.memory_space<hbm>>
        tpu.enqueue_dma source(%arg15 : memref<16xi32, #tpu.memory_space<vmem>>) target(%dma_start3A_71 : memref<16xi32, #tpu.memory_space<hbm>>) target_semaphore(%run_scoped3A : memref<!tpu.dma_semaphore, #tpu.memory_space<semaphore_mem>>)
        %dma_wait3A = arith.constant 0 : i32
        %dma_wait3A_72 = tpu.memref_slice %arg7[%add3A_15, %dma_wait3A] : memref<128x16xi32, #tpu.memory_space<hbm>> -> memref<1x16xi32, #tpu.memory_space<hbm>>
        %dma_wait3A_73 = tpu.memref_squeeze %dma_wait3A_72 : memref<1x16xi32, #tpu.memory_space<hbm>> -> memref<16xi32, #tpu.memory_space<hbm>>
        %dma_wait3A_74 = arith.constant 0 : i32
        %dma_wait3A_75 = tpu.memref_slice %arg7[%add3A_15, %dma_wait3A_74] : memref<128x16xi32, #tpu.memory_space<hbm>> -> memref<1x16xi32, #tpu.memory_space<hbm>>
        %dma_wait3A_76 = tpu.memref_squeeze %dma_wait3A_75 : memref<1x16xi32, #tpu.memory_space<hbm>> -> memref<16xi32, #tpu.memory_space<hbm>>
        tpu.wait_dma2 semaphore(%run_scoped3A : memref<!tpu.dma_semaphore, #tpu.memory_space<semaphore_mem>>) src(%arg15 : memref<16xi32, #tpu.memory_space<vmem>>) dst(%dma_wait3A_76 : memref<16xi32, #tpu.memory_space<hbm>>)
        tpu.yield
      }) : () -> ()
      %scan3A_66 = arith.constant 0 : i32
      scf.yield %scan3A_66 : i32
    }
    %scan3A_10 = arith.constant 4 : i32
    return
  }
}

module attributes {stable_mosaic.version = 14 : i64} {
  func.func @_stats_body(%arg0: i32, %arg1: memref<16x100000xf32, #tpu.memory_space<vmem>>, %arg2: memref<16x3136xf32, #tpu.memory_space<vmem>>, %arg3: memref<16x16xf32, #tpu.memory_space<vmem>>, %arg4: memref<16x100352xf32, #tpu.memory_space<vmem>>) attributes {dimension_semantics = [#tpu.dimension_semantics<arbitrary>], iteration_bounds = array<i64: 8>, scalar_prefetch = 0 : i64, scratch_operands = 0 : i64, tpu.core_type = #tpu.core_type<tc>, window_params = [{transform_indices = @transform_0, window_bounds = array<i64: 16, 100000>}, {transform_indices = @transform_1, window_bounds = array<i64: 16, 3136>}, {transform_indices = @transform_2, window_bounds = array<i64: 16, 16>}, {transform_indices = @transform_3, window_bounds = array<i64: 16, 100352>}]} {
    %get3A = arith.constant 0 : index
    %get3A_0 = arith.constant 0 : index
    %get3A_1 = vector.load %arg1[%get3A, %get3A_0] : memref<16x100000xf32, #tpu.memory_space<vmem>>, vector<16x2048xf32>
    %swap3A = arith.constant 0 : index
    %swap3A_2 = arith.constant 0 : index
    %swap3A_3 = vector.load %arg4[%swap3A, %swap3A_2] : memref<16x100352xf32, #tpu.memory_space<vmem>>, vector<16x2048xf32>
    tpu.vector_store %arg4[%swap3A, %swap3A_2], %get3A_1 {strides = array<i32>} : memref<16x100352xf32, #tpu.memory_space<vmem>>, vector<16x2048xf32>,
    %reshape3A = vector.shape_cast %get3A_1 : vector<16x2048xf32> to vector<16x64x32xf32>
    %reduce_max3A = arith.constant dense<0xFF800000> : vector<16x64xf32>
    %reduce_max3A_4 = vector.multi_reduction <maximumf>, %reshape3A, %reduce_max3A [2] : vector<16x64x32xf32> to vector<16x64xf32>
    %get3A_5 = arith.constant 0 : index
    %get3A_6 = arith.constant 2048 : index
    %get3A_7 = vector.load %arg1[%get3A_5, %get3A_6] : memref<16x100000xf32, #tpu.memory_space<vmem>>, vector<16x2048xf32>
    %swap3A_8 = arith.constant 0 : index
    %swap3A_9 = arith.constant 2048 : index
    %swap3A_10 = vector.load %arg4[%swap3A_8, %swap3A_9] : memref<16x100352xf32, #tpu.memory_space<vmem>>, vector<16x2048xf32>
    tpu.vector_store %arg4[%swap3A_8, %swap3A_9], %get3A_7 {strides = array<i32>} : memref<16x100352xf32, #tpu.memory_space<vmem>>, vector<16x2048xf32>,
    %reshape3A_11 = vector.shape_cast %get3A_7 : vector<16x2048xf32> to vector<16x64x32xf32>
    %reduce_max3A_12 = arith.constant dense<0xFF800000> : vector<16x64xf32>
    %reduce_max3A_13 = vector.multi_reduction <maximumf>, %reshape3A_11, %reduce_max3A_12 [2] : vector<16x64x32xf32> to vector<16x64xf32>
    %get3A_14 = arith.constant 0 : index
    %get3A_15 = arith.constant 4096 : index
    %get3A_16 = vector.load %arg1[%get3A_14, %get3A_15] : memref<16x100000xf32, #tpu.memory_space<vmem>>, vector<16x2048xf32>
    %swap3A_17 = arith.constant 0 : index
    %swap3A_18 = arith.constant 4096 : index
    %swap3A_19 = vector.load %arg4[%swap3A_17, %swap3A_18] : memref<16x100352xf32, #tpu.memory_space<vmem>>, vector<16x2048xf32>
    tpu.vector_store %arg4[%swap3A_17, %swap3A_18], %get3A_16 {strides = array<i32>} : memref<16x100352xf32, #tpu.memory_space<vmem>>, vector<16x2048xf32>,
    %reshape3A_20 = vector.shape_cast %get3A_16 : vector<16x2048xf32> to vector<16x64x32xf32>
    %reduce_max3A_21 = arith.constant dense<0xFF800000> : vector<16x64xf32>
    %reduce_max3A_22 = vector.multi_reduction <maximumf>, %reshape3A_20, %reduce_max3A_21 [2] : vector<16x64x32xf32> to vector<16x64xf32>
    %get3A_23 = arith.constant 0 : index
    %get3A_24 = arith.constant 6144 : index
    %get3A_25 = vector.load %arg1[%get3A_23, %get3A_24] : memref<16x100000xf32, #tpu.memory_space<vmem>>, vector<16x2048xf32>
    %swap3A_26 = arith.constant 0 : index
    %swap3A_27 = arith.constant 6144 : index
    %swap3A_28 = vector.load %arg4[%swap3A_26, %swap3A_27] : memref<16x100352xf32, #tpu.memory_space<vmem>>, vector<16x2048xf32>
    tpu.vector_store %arg4[%swap3A_26, %swap3A_27], %get3A_25 {strides = array<i32>} : memref<16x100352xf32, #tpu.memory_space<vmem>>, vector<16x2048xf32>,
    %reshape3A_29 = vector.shape_cast %get3A_25 : vector<16x2048xf32> to vector<16x64x32xf32>
    %reduce_max3A_30 = arith.constant dense<0xFF800000> : vector<16x64xf32>
    %reduce_max3A_31 = vector.multi_reduction <maximumf>, %reshape3A_29, %reduce_max3A_30 [2] : vector<16x64x32xf32> to vector<16x64xf32>
    %get3A_32 = arith.constant 0 : index
    %get3A_33 = arith.constant 8192 : index
    %get3A_34 = vector.load %arg1[%get3A_32, %get3A_33] : memref<16x100000xf32, #tpu.memory_space<vmem>>, vector<16x2048xf32>
    %swap3A_35 = arith.constant 0 : index
    %swap3A_36 = arith.constant 8192 : index
    %swap3A_37 = vector.load %arg4[%swap3A_35, %swap3A_36] : memref<16x100352xf32, #tpu.memory_space<vmem>>, vector<16x2048xf32>
    tpu.vector_store %arg4[%swap3A_35, %swap3A_36], %get3A_34 {strides = array<i32>} : memref<16x100352xf32, #tpu.memory_space<vmem>>, vector<16x2048xf32>,
    %reshape3A_38 = vector.shape_cast %get3A_34 : vector<16x2048xf32> to vector<16x64x32xf32>
    %reduce_max3A_39 = arith.constant dense<0xFF800000> : vector<16x64xf32>
    %reduce_max3A_40 = vector.multi_reduction <maximumf>, %reshape3A_38, %reduce_max3A_39 [2] : vector<16x64x32xf32> to vector<16x64xf32>
    %get3A_41 = arith.constant 0 : index
    %get3A_42 = arith.constant 10240 : index
    %get3A_43 = vector.load %arg1[%get3A_41, %get3A_42] : memref<16x100000xf32, #tpu.memory_space<vmem>>, vector<16x2048xf32>
    %swap3A_44 = arith.constant 0 : index
    %swap3A_45 = arith.constant 10240 : index
    %swap3A_46 = vector.load %arg4[%swap3A_44, %swap3A_45] : memref<16x100352xf32, #tpu.memory_space<vmem>>, vector<16x2048xf32>
    tpu.vector_store %arg4[%swap3A_44, %swap3A_45], %get3A_43 {strides = array<i32>} : memref<16x100352xf32, #tpu.memory_space<vmem>>, vector<16x2048xf32>,
    %reshape3A_47 = vector.shape_cast %get3A_43 : vector<16x2048xf32> to vector<16x64x32xf32>
    %reduce_max3A_48 = arith.constant dense<0xFF800000> : vector<16x64xf32>
    %reduce_max3A_49 = vector.multi_reduction <maximumf>, %reshape3A_47, %reduce_max3A_48 [2] : vector<16x64x32xf32> to vector<16x64xf32>
    %get3A_50 = arith.constant 0 : index
    %get3A_51 = arith.constant 12288 : index
    %get3A_52 = vector.load %arg1[%get3A_50, %get3A_51] : memref<16x100000xf32, #tpu.memory_space<vmem>>, vector<16x2048xf32>
    %swap3A_53 = arith.constant 0 : index
    %swap3A_54 = arith.constant 12288 : index
    %swap3A_55 = vector.load %arg4[%swap3A_53, %swap3A_54] : memref<16x100352xf32, #tpu.memory_space<vmem>>, vector<16x2048xf32>
    tpu.vector_store %arg4[%swap3A_53, %swap3A_54], %get3A_52 {strides = array<i32>} : memref<16x100352xf32, #tpu.memory_space<vmem>>, vector<16x2048xf32>,
    %reshape3A_56 = vector.shape_cast %get3A_52 : vector<16x2048xf32> to vector<16x64x32xf32>
    %reduce_max3A_57 = arith.constant dense<0xFF800000> : vector<16x64xf32>
    %reduce_max3A_58 = vector.multi_reduction <maximumf>, %reshape3A_56, %reduce_max3A_57 [2] : vector<16x64x32xf32> to vector<16x64xf32>
    %get3A_59 = arith.constant 0 : index
    %get3A_60 = arith.constant 14336 : index
    %get3A_61 = vector.load %arg1[%get3A_59, %get3A_60] : memref<16x100000xf32, #tpu.memory_space<vmem>>, vector<16x2048xf32>
    %swap3A_62 = arith.constant 0 : index
    %swap3A_63 = arith.constant 14336 : index
    %swap3A_64 = vector.load %arg4[%swap3A_62, %swap3A_63] : memref<16x100352xf32, #tpu.memory_space<vmem>>, vector<16x2048xf32>
    tpu.vector_store %arg4[%swap3A_62, %swap3A_63], %get3A_61 {strides = array<i32>} : memref<16x100352xf32, #tpu.memory_space<vmem>>, vector<16x2048xf32>,
    %reshape3A_65 = vector.shape_cast %get3A_61 : vector<16x2048xf32> to vector<16x64x32xf32>
    %reduce_max3A_66 = arith.constant dense<0xFF800000> : vector<16x64xf32>
    %reduce_max3A_67 = vector.multi_reduction <maximumf>, %reshape3A_65, %reduce_max3A_66 [2] : vector<16x64x32xf32> to vector<16x64xf32>
    %get3A_68 = arith.constant 0 : index
    %get3A_69 = arith.constant 16384 : index
    %get3A_70 = vector.load %arg1[%get3A_68, %get3A_69] : memref<16x100000xf32, #tpu.memory_space<vmem>>, vector<16x2048xf32>
    %swap3A_71 = arith.constant 0 : index
    %swap3A_72 = arith.constant 16384 : index
    %swap3A_73 = vector.load %arg4[%swap3A_71, %swap3A_72] : memref<16x100352xf32, #tpu.memory_space<vmem>>, vector<16x2048xf32>
    tpu.vector_store %arg4[%swap3A_71, %swap3A_72], %get3A_70 {strides = array<i32>} : memref<16x100352xf32, #tpu.memory_space<vmem>>, vector<16x2048xf32>,
    %reshape3A_74 = vector.shape_cast %get3A_70 : vector<16x2048xf32> to vector<16x64x32xf32>
    %reduce_max3A_75 = arith.constant dense<0xFF800000> : vector<16x64xf32>
    %reduce_max3A_76 = vector.multi_reduction <maximumf>, %reshape3A_74, %reduce_max3A_75 [2] : vector<16x64x32xf32> to vector<16x64xf32>
    %get3A_77 = arith.constant 0 : index
    %get3A_78 = arith.constant 18432 : index
    %get3A_79 = vector.load %arg1[%get3A_77, %get3A_78] : memref<16x100000xf32, #tpu.memory_space<vmem>>, vector<16x2048xf32>
    %swap3A_80 = arith.constant 0 : index
    %swap3A_81 = arith.constant 18432 : index
    %swap3A_82 = vector.load %arg4[%swap3A_80, %swap3A_81] : memref<16x100352xf32, #tpu.memory_space<vmem>>, vector<16x2048xf32>
    tpu.vector_store %arg4[%swap3A_80, %swap3A_81], %get3A_79 {strides = array<i32>} : memref<16x100352xf32, #tpu.memory_space<vmem>>, vector<16x2048xf32>,
    %reshape3A_83 = vector.shape_cast %get3A_79 : vector<16x2048xf32> to vector<16x64x32xf32>
    %reduce_max3A_84 = arith.constant dense<0xFF800000> : vector<16x64xf32>
    %reduce_max3A_85 = vector.multi_reduction <maximumf>, %reshape3A_83, %reduce_max3A_84 [2] : vector<16x64x32xf32> to vector<16x64xf32>
    %get3A_86 = arith.constant 0 : index
    %get3A_87 = arith.constant 20480 : index
    %get3A_88 = vector.load %arg1[%get3A_86, %get3A_87] : memref<16x100000xf32, #tpu.memory_space<vmem>>, vector<16x2048xf32>
    %swap3A_89 = arith.constant 0 : index
    %swap3A_90 = arith.constant 20480 : index
    %swap3A_91 = vector.load %arg4[%swap3A_89, %swap3A_90] : memref<16x100352xf32, #tpu.memory_space<vmem>>, vector<16x2048xf32>
    tpu.vector_store %arg4[%swap3A_89, %swap3A_90], %get3A_88 {strides = array<i32>} : memref<16x100352xf32, #tpu.memory_space<vmem>>, vector<16x2048xf32>,
    %reshape3A_92 = vector.shape_cast %get3A_88 : vector<16x2048xf32> to vector<16x64x32xf32>
    %reduce_max3A_93 = arith.constant dense<0xFF800000> : vector<16x64xf32>
    %reduce_max3A_94 = vector.multi_reduction <maximumf>, %reshape3A_92, %reduce_max3A_93 [2] : vector<16x64x32xf32> to vector<16x64xf32>
    %get3A_95 = arith.constant 0 : index
    %get3A_96 = arith.constant 22528 : index
    %get3A_97 = vector.load %arg1[%get3A_95, %get3A_96] : memref<16x100000xf32, #tpu.memory_space<vmem>>, vector<16x2048xf32>
    %swap3A_98 = arith.constant 0 : index
    %swap3A_99 = arith.constant 22528 : index
    %swap3A_100 = vector.load %arg4[%swap3A_98, %swap3A_99] : memref<16x100352xf32, #tpu.memory_space<vmem>>, vector<16x2048xf32>
    tpu.vector_store %arg4[%swap3A_98, %swap3A_99], %get3A_97 {strides = array<i32>} : memref<16x100352xf32, #tpu.memory_space<vmem>>, vector<16x2048xf32>,
    %reshape3A_101 = vector.shape_cast %get3A_97 : vector<16x2048xf32> to vector<16x64x32xf32>
    %reduce_max3A_102 = arith.constant dense<0xFF800000> : vector<16x64xf32>
    %reduce_max3A_103 = vector.multi_reduction <maximumf>, %reshape3A_101, %reduce_max3A_102 [2] : vector<16x64x32xf32> to vector<16x64xf32>
    %get3A_104 = arith.constant 0 : index
    %get3A_105 = arith.constant 24576 : index
    %get3A_106 = vector.load %arg1[%get3A_104, %get3A_105] : memref<16x100000xf32, #tpu.memory_space<vmem>>, vector<16x2048xf32>
    %swap3A_107 = arith.constant 0 : index
    %swap3A_108 = arith.constant 24576 : index
    %swap3A_109 = vector.load %arg4[%swap3A_107, %swap3A_108] : memref<16x100352xf32, #tpu.memory_space<vmem>>, vector<16x2048xf32>
    tpu.vector_store %arg4[%swap3A_107, %swap3A_108], %get3A_106 {strides = array<i32>} : memref<16x100352xf32, #tpu.memory_space<vmem>>, vector<16x2048xf32>,
    %reshape3A_110 = vector.shape_cast %get3A_106 : vector<16x2048xf32> to vector<16x64x32xf32>
    %reduce_max3A_111 = arith.constant dense<0xFF800000> : vector<16x64xf32>
    %reduce_max3A_112 = vector.multi_reduction <maximumf>, %reshape3A_110, %reduce_max3A_111 [2] : vector<16x64x32xf32> to vector<16x64xf32>
    %get3A_113 = arith.constant 0 : index
    %get3A_114 = arith.constant 26624 : index
    %get3A_115 = vector.load %arg1[%get3A_113, %get3A_114] : memref<16x100000xf32, #tpu.memory_space<vmem>>, vector<16x2048xf32>
    %swap3A_116 = arith.constant 0 : index
    %swap3A_117 = arith.constant 26624 : index
    %swap3A_118 = vector.load %arg4[%swap3A_116, %swap3A_117] : memref<16x100352xf32, #tpu.memory_space<vmem>>, vector<16x2048xf32>
    tpu.vector_store %arg4[%swap3A_116, %swap3A_117], %get3A_115 {strides = array<i32>} : memref<16x100352xf32, #tpu.memory_space<vmem>>, vector<16x2048xf32>,
    %reshape3A_119 = vector.shape_cast %get3A_115 : vector<16x2048xf32> to vector<16x64x32xf32>
    %reduce_max3A_120 = arith.constant dense<0xFF800000> : vector<16x64xf32>
    %reduce_max3A_121 = vector.multi_reduction <maximumf>, %reshape3A_119, %reduce_max3A_120 [2] : vector<16x64x32xf32> to vector<16x64xf32>
    %get3A_122 = arith.constant 0 : index
    %get3A_123 = arith.constant 28672 : index
    %get3A_124 = vector.load %arg1[%get3A_122, %get3A_123] : memref<16x100000xf32, #tpu.memory_space<vmem>>, vector<16x2048xf32>
    %swap3A_125 = arith.constant 0 : index
    %swap3A_126 = arith.constant 28672 : index
    %swap3A_127 = vector.load %arg4[%swap3A_125, %swap3A_126] : memref<16x100352xf32, #tpu.memory_space<vmem>>, vector<16x2048xf32>
    tpu.vector_store %arg4[%swap3A_125, %swap3A_126], %get3A_124 {strides = array<i32>} : memref<16x100352xf32, #tpu.memory_space<vmem>>, vector<16x2048xf32>,
    %reshape3A_128 = vector.shape_cast %get3A_124 : vector<16x2048xf32> to vector<16x64x32xf32>
    %reduce_max3A_129 = arith.constant dense<0xFF800000> : vector<16x64xf32>
    %reduce_max3A_130 = vector.multi_reduction <maximumf>, %reshape3A_128, %reduce_max3A_129 [2] : vector<16x64x32xf32> to vector<16x64xf32>
    %get3A_131 = arith.constant 0 : index
    %get3A_132 = arith.constant 30720 : index
    %get3A_133 = vector.load %arg1[%get3A_131, %get3A_132] : memref<16x100000xf32, #tpu.memory_space<vmem>>, vector<16x2048xf32>
    %swap3A_134 = arith.constant 0 : index
    %swap3A_135 = arith.constant 30720 : index
    %swap3A_136 = vector.load %arg4[%swap3A_134, %swap3A_135] : memref<16x100352xf32, #tpu.memory_space<vmem>>, vector<16x2048xf32>
    tpu.vector_store %arg4[%swap3A_134, %swap3A_135], %get3A_133 {strides = array<i32>} : memref<16x100352xf32, #tpu.memory_space<vmem>>, vector<16x2048xf32>,
    %reshape3A_137 = vector.shape_cast %get3A_133 : vector<16x2048xf32> to vector<16x64x32xf32>
    %reduce_max3A_138 = arith.constant dense<0xFF800000> : vector<16x64xf32>
    %reduce_max3A_139 = vector.multi_reduction <maximumf>, %reshape3A_137, %reduce_max3A_138 [2] : vector<16x64x32xf32> to vector<16x64xf32>
    %get3A_140 = arith.constant 0 : index
    %get3A_141 = arith.constant 32768 : index
    %get3A_142 = vector.load %arg1[%get3A_140, %get3A_141] : memref<16x100000xf32, #tpu.memory_space<vmem>>, vector<16x2048xf32>
    %swap3A_143 = arith.constant 0 : index
    %swap3A_144 = arith.constant 32768 : index
    %swap3A_145 = vector.load %arg4[%swap3A_143, %swap3A_144] : memref<16x100352xf32, #tpu.memory_space<vmem>>, vector<16x2048xf32>
    tpu.vector_store %arg4[%swap3A_143, %swap3A_144], %get3A_142 {strides = array<i32>} : memref<16x100352xf32, #tpu.memory_space<vmem>>, vector<16x2048xf32>,
    %reshape3A_146 = vector.shape_cast %get3A_142 : vector<16x2048xf32> to vector<16x64x32xf32>
    %reduce_max3A_147 = arith.constant dense<0xFF800000> : vector<16x64xf32>
    %reduce_max3A_148 = vector.multi_reduction <maximumf>, %reshape3A_146, %reduce_max3A_147 [2] : vector<16x64x32xf32> to vector<16x64xf32>
    %get3A_149 = arith.constant 0 : index
    %get3A_150 = arith.constant 34816 : index
    %get3A_151 = vector.load %arg1[%get3A_149, %get3A_150] : memref<16x100000xf32, #tpu.memory_space<vmem>>, vector<16x2048xf32>
    %swap3A_152 = arith.constant 0 : index
    %swap3A_153 = arith.constant 34816 : index
    %swap3A_154 = vector.load %arg4[%swap3A_152, %swap3A_153] : memref<16x100352xf32, #tpu.memory_space<vmem>>, vector<16x2048xf32>
    tpu.vector_store %arg4[%swap3A_152, %swap3A_153], %get3A_151 {strides = array<i32>} : memref<16x100352xf32, #tpu.memory_space<vmem>>, vector<16x2048xf32>,
    %reshape3A_155 = vector.shape_cast %get3A_151 : vector<16x2048xf32> to vector<16x64x32xf32>
    %reduce_max3A_156 = arith.constant dense<0xFF800000> : vector<16x64xf32>
    %reduce_max3A_157 = vector.multi_reduction <maximumf>, %reshape3A_155, %reduce_max3A_156 [2] : vector<16x64x32xf32> to vector<16x64xf32>
    %get3A_158 = arith.constant 0 : index
    %get3A_159 = arith.constant 36864 : index
    %get3A_160 = vector.load %arg1[%get3A_158, %get3A_159] : memref<16x100000xf32, #tpu.memory_space<vmem>>, vector<16x2048xf32>
    %swap3A_161 = arith.constant 0 : index
    %swap3A_162 = arith.constant 36864 : index
    %swap3A_163 = vector.load %arg4[%swap3A_161, %swap3A_162] : memref<16x100352xf32, #tpu.memory_space<vmem>>, vector<16x2048xf32>
    tpu.vector_store %arg4[%swap3A_161, %swap3A_162], %get3A_160 {strides = array<i32>} : memref<16x100352xf32, #tpu.memory_space<vmem>>, vector<16x2048xf32>,
    %reshape3A_164 = vector.shape_cast %get3A_160 : vector<16x2048xf32> to vector<16x64x32xf32>
    %reduce_max3A_165 = arith.constant dense<0xFF800000> : vector<16x64xf32>
    %reduce_max3A_166 = vector.multi_reduction <maximumf>, %reshape3A_164, %reduce_max3A_165 [2] : vector<16x64x32xf32> to vector<16x64xf32>
    %get3A_167 = arith.constant 0 : index
    %get3A_168 = arith.constant 38912 : index
    %get3A_169 = vector.load %arg1[%get3A_167, %get3A_168] : memref<16x100000xf32, #tpu.memory_space<vmem>>, vector<16x2048xf32>
    %swap3A_170 = arith.constant 0 : index
    %swap3A_171 = arith.constant 38912 : index
    %swap3A_172 = vector.load %arg4[%swap3A_170, %swap3A_171] : memref<16x100352xf32, #tpu.memory_space<vmem>>, vector<16x2048xf32>
    tpu.vector_store %arg4[%swap3A_170, %swap3A_171], %get3A_169 {strides = array<i32>} : memref<16x100352xf32, #tpu.memory_space<vmem>>, vector<16x2048xf32>,
    %reshape3A_173 = vector.shape_cast %get3A_169 : vector<16x2048xf32> to vector<16x64x32xf32>
    %reduce_max3A_174 = arith.constant dense<0xFF800000> : vector<16x64xf32>
    %reduce_max3A_175 = vector.multi_reduction <maximumf>, %reshape3A_173, %reduce_max3A_174 [2] : vector<16x64x32xf32> to vector<16x64xf32>
    %get3A_176 = arith.constant 0 : index
    %get3A_177 = arith.constant 40960 : index
    %get3A_178 = vector.load %arg1[%get3A_176, %get3A_177] : memref<16x100000xf32, #tpu.memory_space<vmem>>, vector<16x2048xf32>
    %swap3A_179 = arith.constant 0 : index
    %swap3A_180 = arith.constant 40960 : index
    %swap3A_181 = vector.load %arg4[%swap3A_179, %swap3A_180] : memref<16x100352xf32, #tpu.memory_space<vmem>>, vector<16x2048xf32>
    tpu.vector_store %arg4[%swap3A_179, %swap3A_180], %get3A_178 {strides = array<i32>} : memref<16x100352xf32, #tpu.memory_space<vmem>>, vector<16x2048xf32>,
    %reshape3A_182 = vector.shape_cast %get3A_178 : vector<16x2048xf32> to vector<16x64x32xf32>
    %reduce_max3A_183 = arith.constant dense<0xFF800000> : vector<16x64xf32>
    %reduce_max3A_184 = vector.multi_reduction <maximumf>, %reshape3A_182, %reduce_max3A_183 [2] : vector<16x64x32xf32> to vector<16x64xf32>
    %get3A_185 = arith.constant 0 : index
    %get3A_186 = arith.constant 43008 : index
    %get3A_187 = vector.load %arg1[%get3A_185, %get3A_186] : memref<16x100000xf32, #tpu.memory_space<vmem>>, vector<16x2048xf32>
    %swap3A_188 = arith.constant 0 : index
    %swap3A_189 = arith.constant 43008 : index
    %swap3A_190 = vector.load %arg4[%swap3A_188, %swap3A_189] : memref<16x100352xf32, #tpu.memory_space<vmem>>, vector<16x2048xf32>
    tpu.vector_store %arg4[%swap3A_188, %swap3A_189], %get3A_187 {strides = array<i32>} : memref<16x100352xf32, #tpu.memory_space<vmem>>, vector<16x2048xf32>,
    %reshape3A_191 = vector.shape_cast %get3A_187 : vector<16x2048xf32> to vector<16x64x32xf32>
    %reduce_max3A_192 = arith.constant dense<0xFF800000> : vector<16x64xf32>
    %reduce_max3A_193 = vector.multi_reduction <maximumf>, %reshape3A_191, %reduce_max3A_192 [2] : vector<16x64x32xf32> to vector<16x64xf32>
    %get3A_194 = arith.constant 0 : index
    %get3A_195 = arith.constant 45056 : index
    %get3A_196 = vector.load %arg1[%get3A_194, %get3A_195] : memref<16x100000xf32, #tpu.memory_space<vmem>>, vector<16x2048xf32>
    %swap3A_197 = arith.constant 0 : index
    %swap3A_198 = arith.constant 45056 : index
    %swap3A_199 = vector.load %arg4[%swap3A_197, %swap3A_198] : memref<16x100352xf32, #tpu.memory_space<vmem>>, vector<16x2048xf32>
    tpu.vector_store %arg4[%swap3A_197, %swap3A_198], %get3A_196 {strides = array<i32>} : memref<16x100352xf32, #tpu.memory_space<vmem>>, vector<16x2048xf32>,
    %reshape3A_200 = vector.shape_cast %get3A_196 : vector<16x2048xf32> to vector<16x64x32xf32>
    %reduce_max3A_201 = arith.constant dense<0xFF800000> : vector<16x64xf32>
    %reduce_max3A_202 = vector.multi_reduction <maximumf>, %reshape3A_200, %reduce_max3A_201 [2] : vector<16x64x32xf32> to vector<16x64xf32>
    %get3A_203 = arith.constant 0 : index
    %get3A_204 = arith.constant 47104 : index
    %get3A_205 = vector.load %arg1[%get3A_203, %get3A_204] : memref<16x100000xf32, #tpu.memory_space<vmem>>, vector<16x2048xf32>
    %swap3A_206 = arith.constant 0 : index
    %swap3A_207 = arith.constant 47104 : index
    %swap3A_208 = vector.load %arg4[%swap3A_206, %swap3A_207] : memref<16x100352xf32, #tpu.memory_space<vmem>>, vector<16x2048xf32>
    tpu.vector_store %arg4[%swap3A_206, %swap3A_207], %get3A_205 {strides = array<i32>} : memref<16x100352xf32, #tpu.memory_space<vmem>>, vector<16x2048xf32>,
    %reshape3A_209 = vector.shape_cast %get3A_205 : vector<16x2048xf32> to vector<16x64x32xf32>
    %reduce_max3A_210 = arith.constant dense<0xFF800000> : vector<16x64xf32>
    %reduce_max3A_211 = vector.multi_reduction <maximumf>, %reshape3A_209, %reduce_max3A_210 [2] : vector<16x64x32xf32> to vector<16x64xf32>
    %get3A_212 = arith.constant 0 : index
    %get3A_213 = arith.constant 49152 : index
    %get3A_214 = vector.load %arg1[%get3A_212, %get3A_213] : memref<16x100000xf32, #tpu.memory_space<vmem>>, vector<16x2048xf32>
    %swap3A_215 = arith.constant 0 : index
    %swap3A_216 = arith.constant 49152 : index
    %swap3A_217 = vector.load %arg4[%swap3A_215, %swap3A_216] : memref<16x100352xf32, #tpu.memory_space<vmem>>, vector<16x2048xf32>
    tpu.vector_store %arg4[%swap3A_215, %swap3A_216], %get3A_214 {strides = array<i32>} : memref<16x100352xf32, #tpu.memory_space<vmem>>, vector<16x2048xf32>,
    %reshape3A_218 = vector.shape_cast %get3A_214 : vector<16x2048xf32> to vector<16x64x32xf32>
    %reduce_max3A_219 = arith.constant dense<0xFF800000> : vector<16x64xf32>
    %reduce_max3A_220 = vector.multi_reduction <maximumf>, %reshape3A_218, %reduce_max3A_219 [2] : vector<16x64x32xf32> to vector<16x64xf32>
    %get3A_221 = arith.constant 0 : index
    %get3A_222 = arith.constant 51200 : index
    %get3A_223 = vector.load %arg1[%get3A_221, %get3A_222] : memref<16x100000xf32, #tpu.memory_space<vmem>>, vector<16x2048xf32>
    %swap3A_224 = arith.constant 0 : index
    %swap3A_225 = arith.constant 51200 : index
    %swap3A_226 = vector.load %arg4[%swap3A_224, %swap3A_225] : memref<16x100352xf32, #tpu.memory_space<vmem>>, vector<16x2048xf32>
    tpu.vector_store %arg4[%swap3A_224, %swap3A_225], %get3A_223 {strides = array<i32>} : memref<16x100352xf32, #tpu.memory_space<vmem>>, vector<16x2048xf32>,
    %reshape3A_227 = vector.shape_cast %get3A_223 : vector<16x2048xf32> to vector<16x64x32xf32>
    %reduce_max3A_228 = arith.constant dense<0xFF800000> : vector<16x64xf32>
    %reduce_max3A_229 = vector.multi_reduction <maximumf>, %reshape3A_227, %reduce_max3A_228 [2] : vector<16x64x32xf32> to vector<16x64xf32>
    %get3A_230 = arith.constant 0 : index
    %get3A_231 = arith.constant 53248 : index
    %get3A_232 = vector.load %arg1[%get3A_230, %get3A_231] : memref<16x100000xf32, #tpu.memory_space<vmem>>, vector<16x2048xf32>
    %swap3A_233 = arith.constant 0 : index
    %swap3A_234 = arith.constant 53248 : index
    %swap3A_235 = vector.load %arg4[%swap3A_233, %swap3A_234] : memref<16x100352xf32, #tpu.memory_space<vmem>>, vector<16x2048xf32>
    tpu.vector_store %arg4[%swap3A_233, %swap3A_234], %get3A_232 {strides = array<i32>} : memref<16x100352xf32, #tpu.memory_space<vmem>>, vector<16x2048xf32>,
    %reshape3A_236 = vector.shape_cast %get3A_232 : vector<16x2048xf32> to vector<16x64x32xf32>
    %reduce_max3A_237 = arith.constant dense<0xFF800000> : vector<16x64xf32>
    %reduce_max3A_238 = vector.multi_reduction <maximumf>, %reshape3A_236, %reduce_max3A_237 [2] : vector<16x64x32xf32> to vector<16x64xf32>
    %get3A_239 = arith.constant 0 : index
    %get3A_240 = arith.constant 55296 : index
    %get3A_241 = vector.load %arg1[%get3A_239, %get3A_240] : memref<16x100000xf32, #tpu.memory_space<vmem>>, vector<16x2048xf32>
    %swap3A_242 = arith.constant 0 : index
    %swap3A_243 = arith.constant 55296 : index
    %swap3A_244 = vector.load %arg4[%swap3A_242, %swap3A_243] : memref<16x100352xf32, #tpu.memory_space<vmem>>, vector<16x2048xf32>
    tpu.vector_store %arg4[%swap3A_242, %swap3A_243], %get3A_241 {strides = array<i32>} : memref<16x100352xf32, #tpu.memory_space<vmem>>, vector<16x2048xf32>,
    %reshape3A_245 = vector.shape_cast %get3A_241 : vector<16x2048xf32> to vector<16x64x32xf32>
    %reduce_max3A_246 = arith.constant dense<0xFF800000> : vector<16x64xf32>
    %reduce_max3A_247 = vector.multi_reduction <maximumf>, %reshape3A_245, %reduce_max3A_246 [2] : vector<16x64x32xf32> to vector<16x64xf32>
    %get3A_248 = arith.constant 0 : index
    %get3A_249 = arith.constant 57344 : index
    %get3A_250 = vector.load %arg1[%get3A_248, %get3A_249] : memref<16x100000xf32, #tpu.memory_space<vmem>>, vector<16x2048xf32>
    %swap3A_251 = arith.constant 0 : index
    %swap3A_252 = arith.constant 57344 : index
    %swap3A_253 = vector.load %arg4[%swap3A_251, %swap3A_252] : memref<16x100352xf32, #tpu.memory_space<vmem>>, vector<16x2048xf32>
    tpu.vector_store %arg4[%swap3A_251, %swap3A_252], %get3A_250 {strides = array<i32>} : memref<16x100352xf32, #tpu.memory_space<vmem>>, vector<16x2048xf32>,
    %reshape3A_254 = vector.shape_cast %get3A_250 : vector<16x2048xf32> to vector<16x64x32xf32>
    %reduce_max3A_255 = arith.constant dense<0xFF800000> : vector<16x64xf32>
    %reduce_max3A_256 = vector.multi_reduction <maximumf>, %reshape3A_254, %reduce_max3A_255 [2] : vector<16x64x32xf32> to vector<16x64xf32>
    %get3A_257 = arith.constant 0 : index
    %get3A_258 = arith.constant 59392 : index
    %get3A_259 = vector.load %arg1[%get3A_257, %get3A_258] : memref<16x100000xf32, #tpu.memory_space<vmem>>, vector<16x2048xf32>
    %swap3A_260 = arith.constant 0 : index
    %swap3A_261 = arith.constant 59392 : index
    %swap3A_262 = vector.load %arg4[%swap3A_260, %swap3A_261] : memref<16x100352xf32, #tpu.memory_space<vmem>>, vector<16x2048xf32>
    tpu.vector_store %arg4[%swap3A_260, %swap3A_261], %get3A_259 {strides = array<i32>} : memref<16x100352xf32, #tpu.memory_space<vmem>>, vector<16x2048xf32>,
    %reshape3A_263 = vector.shape_cast %get3A_259 : vector<16x2048xf32> to vector<16x64x32xf32>
    %reduce_max3A_264 = arith.constant dense<0xFF800000> : vector<16x64xf32>
    %reduce_max3A_265 = vector.multi_reduction <maximumf>, %reshape3A_263, %reduce_max3A_264 [2] : vector<16x64x32xf32> to vector<16x64xf32>
    %get3A_266 = arith.constant 0 : index
    %get3A_267 = arith.constant 61440 : index
    %get3A_268 = vector.load %arg1[%get3A_266, %get3A_267] : memref<16x100000xf32, #tpu.memory_space<vmem>>, vector<16x2048xf32>
    %swap3A_269 = arith.constant 0 : index
    %swap3A_270 = arith.constant 61440 : index
    %swap3A_271 = vector.load %arg4[%swap3A_269, %swap3A_270] : memref<16x100352xf32, #tpu.memory_space<vmem>>, vector<16x2048xf32>
    tpu.vector_store %arg4[%swap3A_269, %swap3A_270], %get3A_268 {strides = array<i32>} : memref<16x100352xf32, #tpu.memory_space<vmem>>, vector<16x2048xf32>,
    %reshape3A_272 = vector.shape_cast %get3A_268 : vector<16x2048xf32> to vector<16x64x32xf32>
    %reduce_max3A_273 = arith.constant dense<0xFF800000> : vector<16x64xf32>
    %reduce_max3A_274 = vector.multi_reduction <maximumf>, %reshape3A_272, %reduce_max3A_273 [2] : vector<16x64x32xf32> to vector<16x64xf32>
    %get3A_275 = arith.constant 0 : index
    %get3A_276 = arith.constant 63488 : index
    %get3A_277 = vector.load %arg1[%get3A_275, %get3A_276] : memref<16x100000xf32, #tpu.memory_space<vmem>>, vector<16x2048xf32>
    %swap3A_278 = arith.constant 0 : index
    %swap3A_279 = arith.constant 63488 : index
    %swap3A_280 = vector.load %arg4[%swap3A_278, %swap3A_279] : memref<16x100352xf32, #tpu.memory_space<vmem>>, vector<16x2048xf32>
    tpu.vector_store %arg4[%swap3A_278, %swap3A_279], %get3A_277 {strides = array<i32>} : memref<16x100352xf32, #tpu.memory_space<vmem>>, vector<16x2048xf32>,
    %reshape3A_281 = vector.shape_cast %get3A_277 : vector<16x2048xf32> to vector<16x64x32xf32>
    %reduce_max3A_282 = arith.constant dense<0xFF800000> : vector<16x64xf32>
    %reduce_max3A_283 = vector.multi_reduction <maximumf>, %reshape3A_281, %reduce_max3A_282 [2] : vector<16x64x32xf32> to vector<16x64xf32>
    %get3A_284 = arith.constant 0 : index
    %get3A_285 = arith.constant 65536 : index
    %get3A_286 = vector.load %arg1[%get3A_284, %get3A_285] : memref<16x100000xf32, #tpu.memory_space<vmem>>, vector<16x2048xf32>
    %swap3A_287 = arith.constant 0 : index
    %swap3A_288 = arith.constant 65536 : index
    %swap3A_289 = vector.load %arg4[%swap3A_287, %swap3A_288] : memref<16x100352xf32, #tpu.memory_space<vmem>>, vector<16x2048xf32>
    tpu.vector_store %arg4[%swap3A_287, %swap3A_288], %get3A_286 {strides = array<i32>} : memref<16x100352xf32, #tpu.memory_space<vmem>>, vector<16x2048xf32>,
    %reshape3A_290 = vector.shape_cast %get3A_286 : vector<16x2048xf32> to vector<16x64x32xf32>
    %reduce_max3A_291 = arith.constant dense<0xFF800000> : vector<16x64xf32>
    %reduce_max3A_292 = vector.multi_reduction <maximumf>, %reshape3A_290, %reduce_max3A_291 [2] : vector<16x64x32xf32> to vector<16x64xf32>
    %get3A_293 = arith.constant 0 : index
    %get3A_294 = arith.constant 67584 : index
    %get3A_295 = vector.load %arg1[%get3A_293, %get3A_294] : memref<16x100000xf32, #tpu.memory_space<vmem>>, vector<16x2048xf32>
    %swap3A_296 = arith.constant 0 : index
    %swap3A_297 = arith.constant 67584 : index
    %swap3A_298 = vector.load %arg4[%swap3A_296, %swap3A_297] : memref<16x100352xf32, #tpu.memory_space<vmem>>, vector<16x2048xf32>
    tpu.vector_store %arg4[%swap3A_296, %swap3A_297], %get3A_295 {strides = array<i32>} : memref<16x100352xf32, #tpu.memory_space<vmem>>, vector<16x2048xf32>,
    %reshape3A_299 = vector.shape_cast %get3A_295 : vector<16x2048xf32> to vector<16x64x32xf32>
    %reduce_max3A_300 = arith.constant dense<0xFF800000> : vector<16x64xf32>
    %reduce_max3A_301 = vector.multi_reduction <maximumf>, %reshape3A_299, %reduce_max3A_300 [2] : vector<16x64x32xf32> to vector<16x64xf32>
    %get3A_302 = arith.constant 0 : index
    %get3A_303 = arith.constant 69632 : index
    %get3A_304 = vector.load %arg1[%get3A_302, %get3A_303] : memref<16x100000xf32, #tpu.memory_space<vmem>>, vector<16x2048xf32>
    %swap3A_305 = arith.constant 0 : index
    %swap3A_306 = arith.constant 69632 : index
    %swap3A_307 = vector.load %arg4[%swap3A_305, %swap3A_306] : memref<16x100352xf32, #tpu.memory_space<vmem>>, vector<16x2048xf32>
    tpu.vector_store %arg4[%swap3A_305, %swap3A_306], %get3A_304 {strides = array<i32>} : memref<16x100352xf32, #tpu.memory_space<vmem>>, vector<16x2048xf32>,
    %reshape3A_308 = vector.shape_cast %get3A_304 : vector<16x2048xf32> to vector<16x64x32xf32>
    %reduce_max3A_309 = arith.constant dense<0xFF800000> : vector<16x64xf32>
    %reduce_max3A_310 = vector.multi_reduction <maximumf>, %reshape3A_308, %reduce_max3A_309 [2] : vector<16x64x32xf32> to vector<16x64xf32>
    %get3A_311 = arith.constant 0 : index
    %get3A_312 = arith.constant 71680 : index
    %get3A_313 = vector.load %arg1[%get3A_311, %get3A_312] : memref<16x100000xf32, #tpu.memory_space<vmem>>, vector<16x2048xf32>
    %swap3A_314 = arith.constant 0 : index
    %swap3A_315 = arith.constant 71680 : index
    %swap3A_316 = vector.load %arg4[%swap3A_314, %swap3A_315] : memref<16x100352xf32, #tpu.memory_space<vmem>>, vector<16x2048xf32>
    tpu.vector_store %arg4[%swap3A_314, %swap3A_315], %get3A_313 {strides = array<i32>} : memref<16x100352xf32, #tpu.memory_space<vmem>>, vector<16x2048xf32>,
    %reshape3A_317 = vector.shape_cast %get3A_313 : vector<16x2048xf32> to vector<16x64x32xf32>
    %reduce_max3A_318 = arith.constant dense<0xFF800000> : vector<16x64xf32>
    %reduce_max3A_319 = vector.multi_reduction <maximumf>, %reshape3A_317, %reduce_max3A_318 [2] : vector<16x64x32xf32> to vector<16x64xf32>
    %get3A_320 = arith.constant 0 : index
    %get3A_321 = arith.constant 73728 : index
    %get3A_322 = vector.load %arg1[%get3A_320, %get3A_321] : memref<16x100000xf32, #tpu.memory_space<vmem>>, vector<16x2048xf32>
    %swap3A_323 = arith.constant 0 : index
    %swap3A_324 = arith.constant 73728 : index
    %swap3A_325 = vector.load %arg4[%swap3A_323, %swap3A_324] : memref<16x100352xf32, #tpu.memory_space<vmem>>, vector<16x2048xf32>
    tpu.vector_store %arg4[%swap3A_323, %swap3A_324], %get3A_322 {strides = array<i32>} : memref<16x100352xf32, #tpu.memory_space<vmem>>, vector<16x2048xf32>,
    %reshape3A_326 = vector.shape_cast %get3A_322 : vector<16x2048xf32> to vector<16x64x32xf32>
    %reduce_max3A_327 = arith.constant dense<0xFF800000> : vector<16x64xf32>
    %reduce_max3A_328 = vector.multi_reduction <maximumf>, %reshape3A_326, %reduce_max3A_327 [2] : vector<16x64x32xf32> to vector<16x64xf32>
    %get3A_329 = arith.constant 0 : index
    %get3A_330 = arith.constant 75776 : index
    %get3A_331 = vector.load %arg1[%get3A_329, %get3A_330] : memref<16x100000xf32, #tpu.memory_space<vmem>>, vector<16x2048xf32>
    %swap3A_332 = arith.constant 0 : index
    %swap3A_333 = arith.constant 75776 : index
    %swap3A_334 = vector.load %arg4[%swap3A_332, %swap3A_333] : memref<16x100352xf32, #tpu.memory_space<vmem>>, vector<16x2048xf32>
    tpu.vector_store %arg4[%swap3A_332, %swap3A_333], %get3A_331 {strides = array<i32>} : memref<16x100352xf32, #tpu.memory_space<vmem>>, vector<16x2048xf32>,
    %reshape3A_335 = vector.shape_cast %get3A_331 : vector<16x2048xf32> to vector<16x64x32xf32>
    %reduce_max3A_336 = arith.constant dense<0xFF800000> : vector<16x64xf32>
    %reduce_max3A_337 = vector.multi_reduction <maximumf>, %reshape3A_335, %reduce_max3A_336 [2] : vector<16x64x32xf32> to vector<16x64xf32>
    %get3A_338 = arith.constant 0 : index
    %get3A_339 = arith.constant 77824 : index
    %get3A_340 = vector.load %arg1[%get3A_338, %get3A_339] : memref<16x100000xf32, #tpu.memory_space<vmem>>, vector<16x2048xf32>
    %swap3A_341 = arith.constant 0 : index
    %swap3A_342 = arith.constant 77824 : index
    %swap3A_343 = vector.load %arg4[%swap3A_341, %swap3A_342] : memref<16x100352xf32, #tpu.memory_space<vmem>>, vector<16x2048xf32>
    tpu.vector_store %arg4[%swap3A_341, %swap3A_342], %get3A_340 {strides = array<i32>} : memref<16x100352xf32, #tpu.memory_space<vmem>>, vector<16x2048xf32>,
    %reshape3A_344 = vector.shape_cast %get3A_340 : vector<16x2048xf32> to vector<16x64x32xf32>
    %reduce_max3A_345 = arith.constant dense<0xFF800000> : vector<16x64xf32>
    %reduce_max3A_346 = vector.multi_reduction <maximumf>, %reshape3A_344, %reduce_max3A_345 [2] : vector<16x64x32xf32> to vector<16x64xf32>
    %get3A_347 = arith.constant 0 : index
    %get3A_348 = arith.constant 79872 : index
    %get3A_349 = vector.load %arg1[%get3A_347, %get3A_348] : memref<16x100000xf32, #tpu.memory_space<vmem>>, vector<16x2048xf32>
    %swap3A_350 = arith.constant 0 : index
    %swap3A_351 = arith.constant 79872 : index
    %swap3A_352 = vector.load %arg4[%swap3A_350, %swap3A_351] : memref<16x100352xf32, #tpu.memory_space<vmem>>, vector<16x2048xf32>
    tpu.vector_store %arg4[%swap3A_350, %swap3A_351], %get3A_349 {strides = array<i32>} : memref<16x100352xf32, #tpu.memory_space<vmem>>, vector<16x2048xf32>,
    %reshape3A_353 = vector.shape_cast %get3A_349 : vector<16x2048xf32> to vector<16x64x32xf32>
    %reduce_max3A_354 = arith.constant dense<0xFF800000> : vector<16x64xf32>
    %reduce_max3A_355 = vector.multi_reduction <maximumf>, %reshape3A_353, %reduce_max3A_354 [2] : vector<16x64x32xf32> to vector<16x64xf32>
    %get3A_356 = arith.constant 0 : index
    %get3A_357 = arith.constant 81920 : index
    %get3A_358 = vector.load %arg1[%get3A_356, %get3A_357] : memref<16x100000xf32, #tpu.memory_space<vmem>>, vector<16x2048xf32>
    %swap3A_359 = arith.constant 0 : index
    %swap3A_360 = arith.constant 81920 : index
    %swap3A_361 = vector.load %arg4[%swap3A_359, %swap3A_360] : memref<16x100352xf32, #tpu.memory_space<vmem>>, vector<16x2048xf32>
    tpu.vector_store %arg4[%swap3A_359, %swap3A_360], %get3A_358 {strides = array<i32>} : memref<16x100352xf32, #tpu.memory_space<vmem>>, vector<16x2048xf32>,
    %reshape3A_362 = vector.shape_cast %get3A_358 : vector<16x2048xf32> to vector<16x64x32xf32>
    %reduce_max3A_363 = arith.constant dense<0xFF800000> : vector<16x64xf32>
    %reduce_max3A_364 = vector.multi_reduction <maximumf>, %reshape3A_362, %reduce_max3A_363 [2] : vector<16x64x32xf32> to vector<16x64xf32>
    %get3A_365 = arith.constant 0 : index
    %get3A_366 = arith.constant 83968 : index
    %get3A_367 = vector.load %arg1[%get3A_365, %get3A_366] : memref<16x100000xf32, #tpu.memory_space<vmem>>, vector<16x2048xf32>
    %swap3A_368 = arith.constant 0 : index
    %swap3A_369 = arith.constant 83968 : index
    %swap3A_370 = vector.load %arg4[%swap3A_368, %swap3A_369] : memref<16x100352xf32, #tpu.memory_space<vmem>>, vector<16x2048xf32>
    tpu.vector_store %arg4[%swap3A_368, %swap3A_369], %get3A_367 {strides = array<i32>} : memref<16x100352xf32, #tpu.memory_space<vmem>>, vector<16x2048xf32>,
    %reshape3A_371 = vector.shape_cast %get3A_367 : vector<16x2048xf32> to vector<16x64x32xf32>
    %reduce_max3A_372 = arith.constant dense<0xFF800000> : vector<16x64xf32>
    %reduce_max3A_373 = vector.multi_reduction <maximumf>, %reshape3A_371, %reduce_max3A_372 [2] : vector<16x64x32xf32> to vector<16x64xf32>
    %get3A_374 = arith.constant 0 : index
    %get3A_375 = arith.constant 86016 : index
    %get3A_376 = vector.load %arg1[%get3A_374, %get3A_375] : memref<16x100000xf32, #tpu.memory_space<vmem>>, vector<16x2048xf32>
    %swap3A_377 = arith.constant 0 : index
    %swap3A_378 = arith.constant 86016 : index
    %swap3A_379 = vector.load %arg4[%swap3A_377, %swap3A_378] : memref<16x100352xf32, #tpu.memory_space<vmem>>, vector<16x2048xf32>
    tpu.vector_store %arg4[%swap3A_377, %swap3A_378], %get3A_376 {strides = array<i32>} : memref<16x100352xf32, #tpu.memory_space<vmem>>, vector<16x2048xf32>,
    %reshape3A_380 = vector.shape_cast %get3A_376 : vector<16x2048xf32> to vector<16x64x32xf32>
    %reduce_max3A_381 = arith.constant dense<0xFF800000> : vector<16x64xf32>
    %reduce_max3A_382 = vector.multi_reduction <maximumf>, %reshape3A_380, %reduce_max3A_381 [2] : vector<16x64x32xf32> to vector<16x64xf32>
    %get3A_383 = arith.constant 0 : index
    %get3A_384 = arith.constant 88064 : index
    %get3A_385 = vector.load %arg1[%get3A_383, %get3A_384] : memref<16x100000xf32, #tpu.memory_space<vmem>>, vector<16x2048xf32>
    %swap3A_386 = arith.constant 0 : index
    %swap3A_387 = arith.constant 88064 : index
    %swap3A_388 = vector.load %arg4[%swap3A_386, %swap3A_387] : memref<16x100352xf32, #tpu.memory_space<vmem>>, vector<16x2048xf32>
    tpu.vector_store %arg4[%swap3A_386, %swap3A_387], %get3A_385 {strides = array<i32>} : memref<16x100352xf32, #tpu.memory_space<vmem>>, vector<16x2048xf32>,
    %reshape3A_389 = vector.shape_cast %get3A_385 : vector<16x2048xf32> to vector<16x64x32xf32>
    %reduce_max3A_390 = arith.constant dense<0xFF800000> : vector<16x64xf32>
    %reduce_max3A_391 = vector.multi_reduction <maximumf>, %reshape3A_389, %reduce_max3A_390 [2] : vector<16x64x32xf32> to vector<16x64xf32>
    %get3A_392 = arith.constant 0 : index
    %get3A_393 = arith.constant 90112 : index
    %get3A_394 = vector.load %arg1[%get3A_392, %get3A_393] : memref<16x100000xf32, #tpu.memory_space<vmem>>, vector<16x2048xf32>
    %swap3A_395 = arith.constant 0 : index
    %swap3A_396 = arith.constant 90112 : index
    %swap3A_397 = vector.load %arg4[%swap3A_395, %swap3A_396] : memref<16x100352xf32, #tpu.memory_space<vmem>>, vector<16x2048xf32>
    tpu.vector_store %arg4[%swap3A_395, %swap3A_396], %get3A_394 {strides = array<i32>} : memref<16x100352xf32, #tpu.memory_space<vmem>>, vector<16x2048xf32>,
    %reshape3A_398 = vector.shape_cast %get3A_394 : vector<16x2048xf32> to vector<16x64x32xf32>
    %reduce_max3A_399 = arith.constant dense<0xFF800000> : vector<16x64xf32>
    %reduce_max3A_400 = vector.multi_reduction <maximumf>, %reshape3A_398, %reduce_max3A_399 [2] : vector<16x64x32xf32> to vector<16x64xf32>
    %get3A_401 = arith.constant 0 : index
    %get3A_402 = arith.constant 92160 : index
    %get3A_403 = vector.load %arg1[%get3A_401, %get3A_402] : memref<16x100000xf32, #tpu.memory_space<vmem>>, vector<16x2048xf32>
    %swap3A_404 = arith.constant 0 : index
    %swap3A_405 = arith.constant 92160 : index
    %swap3A_406 = vector.load %arg4[%swap3A_404, %swap3A_405] : memref<16x100352xf32, #tpu.memory_space<vmem>>, vector<16x2048xf32>
    tpu.vector_store %arg4[%swap3A_404, %swap3A_405], %get3A_403 {strides = array<i32>} : memref<16x100352xf32, #tpu.memory_space<vmem>>, vector<16x2048xf32>,
    %reshape3A_407 = vector.shape_cast %get3A_403 : vector<16x2048xf32> to vector<16x64x32xf32>
    %reduce_max3A_408 = arith.constant dense<0xFF800000> : vector<16x64xf32>
    %reduce_max3A_409 = vector.multi_reduction <maximumf>, %reshape3A_407, %reduce_max3A_408 [2] : vector<16x64x32xf32> to vector<16x64xf32>
    %get3A_410 = arith.constant 0 : index
    %get3A_411 = arith.constant 94208 : index
    %get3A_412 = vector.load %arg1[%get3A_410, %get3A_411] : memref<16x100000xf32, #tpu.memory_space<vmem>>, vector<16x2048xf32>
    %swap3A_413 = arith.constant 0 : index
    %swap3A_414 = arith.constant 94208 : index
    %swap3A_415 = vector.load %arg4[%swap3A_413, %swap3A_414] : memref<16x100352xf32, #tpu.memory_space<vmem>>, vector<16x2048xf32>
    tpu.vector_store %arg4[%swap3A_413, %swap3A_414], %get3A_412 {strides = array<i32>} : memref<16x100352xf32, #tpu.memory_space<vmem>>, vector<16x2048xf32>,
    %reshape3A_416 = vector.shape_cast %get3A_412 : vector<16x2048xf32> to vector<16x64x32xf32>
    %reduce_max3A_417 = arith.constant dense<0xFF800000> : vector<16x64xf32>
    %reduce_max3A_418 = vector.multi_reduction <maximumf>, %reshape3A_416, %reduce_max3A_417 [2] : vector<16x64x32xf32> to vector<16x64xf32>
    %get3A_419 = arith.constant 0 : index
    %get3A_420 = arith.constant 96256 : index
    %get3A_421 = vector.load %arg1[%get3A_419, %get3A_420] : memref<16x100000xf32, #tpu.memory_space<vmem>>, vector<16x2048xf32>
    %swap3A_422 = arith.constant 0 : index
    %swap3A_423 = arith.constant 96256 : index
    %swap3A_424 = vector.load %arg4[%swap3A_422, %swap3A_423] : memref<16x100352xf32, #tpu.memory_space<vmem>>, vector<16x2048xf32>
    tpu.vector_store %arg4[%swap3A_422, %swap3A_423], %get3A_421 {strides = array<i32>} : memref<16x100352xf32, #tpu.memory_space<vmem>>, vector<16x2048xf32>,
    %reshape3A_425 = vector.shape_cast %get3A_421 : vector<16x2048xf32> to vector<16x64x32xf32>
    %reduce_max3A_426 = arith.constant dense<0xFF800000> : vector<16x64xf32>
    %reduce_max3A_427 = vector.multi_reduction <maximumf>, %reshape3A_425, %reduce_max3A_426 [2] : vector<16x64x32xf32> to vector<16x64xf32>
    %get3A_428 = arith.constant 0 : index
    %get3A_429 = arith.constant 98304 : index
    %get3A_430 = vector.load %arg1[%get3A_428, %get3A_429] : memref<16x100000xf32, #tpu.memory_space<vmem>>, vector<16x128xf32>
    %swap3A_431 = arith.constant 0 : index
    %swap3A_432 = arith.constant 98304 : index
    %swap3A_433 = vector.load %arg4[%swap3A_431, %swap3A_432] : memref<16x100352xf32, #tpu.memory_space<vmem>>, vector<16x128xf32>
    tpu.vector_store %arg4[%swap3A_431, %swap3A_432], %get3A_430 {strides = array<i32>} : memref<16x100352xf32, #tpu.memory_space<vmem>>, vector<16x128xf32>,
    %reshape3A_434 = vector.shape_cast %get3A_430 : vector<16x128xf32> to vector<16x4x32xf32>
    %reduce_max3A_435 = arith.constant dense<0xFF800000> : vector<16x4xf32>
    %reduce_max3A_436 = vector.multi_reduction <maximumf>, %reshape3A_434, %reduce_max3A_435 [2] : vector<16x4x32xf32> to vector<16x4xf32>
    %get3A_437 = arith.constant 0 : index
    %get3A_438 = arith.constant 98432 : index
    %get3A_439 = vector.load %arg1[%get3A_437, %get3A_438] : memref<16x100000xf32, #tpu.memory_space<vmem>>, vector<16x128xf32>
    %swap3A_440 = arith.constant 0 : index
    %swap3A_441 = arith.constant 98432 : index
    %swap3A_442 = vector.load %arg4[%swap3A_440, %swap3A_441] : memref<16x100352xf32, #tpu.memory_space<vmem>>, vector<16x128xf32>
    tpu.vector_store %arg4[%swap3A_440, %swap3A_441], %get3A_439 {strides = array<i32>} : memref<16x100352xf32, #tpu.memory_space<vmem>>, vector<16x128xf32>,
    %reshape3A_443 = vector.shape_cast %get3A_439 : vector<16x128xf32> to vector<16x4x32xf32>
    %reduce_max3A_444 = arith.constant dense<0xFF800000> : vector<16x4xf32>
    %reduce_max3A_445 = vector.multi_reduction <maximumf>, %reshape3A_443, %reduce_max3A_444 [2] : vector<16x4x32xf32> to vector<16x4xf32>
    %get3A_446 = arith.constant 0 : index
    %get3A_447 = arith.constant 98560 : index
    %get3A_448 = vector.load %arg1[%get3A_446, %get3A_447] : memref<16x100000xf32, #tpu.memory_space<vmem>>, vector<16x128xf32>
    %swap3A_449 = arith.constant 0 : index
    %swap3A_450 = arith.constant 98560 : index
    %swap3A_451 = vector.load %arg4[%swap3A_449, %swap3A_450] : memref<16x100352xf32, #tpu.memory_space<vmem>>, vector<16x128xf32>
    tpu.vector_store %arg4[%swap3A_449, %swap3A_450], %get3A_448 {strides = array<i32>} : memref<16x100352xf32, #tpu.memory_space<vmem>>, vector<16x128xf32>,
    %reshape3A_452 = vector.shape_cast %get3A_448 : vector<16x128xf32> to vector<16x4x32xf32>
    %reduce_max3A_453 = arith.constant dense<0xFF800000> : vector<16x4xf32>
    %reduce_max3A_454 = vector.multi_reduction <maximumf>, %reshape3A_452, %reduce_max3A_453 [2] : vector<16x4x32xf32> to vector<16x4xf32>
    %get3A_455 = arith.constant 0 : index
    %get3A_456 = arith.constant 98688 : index
    %get3A_457 = vector.load %arg1[%get3A_455, %get3A_456] : memref<16x100000xf32, #tpu.memory_space<vmem>>, vector<16x128xf32>
    %swap3A_458 = arith.constant 0 : index
    %swap3A_459 = arith.constant 98688 : index
    %swap3A_460 = vector.load %arg4[%swap3A_458, %swap3A_459] : memref<16x100352xf32, #tpu.memory_space<vmem>>, vector<16x128xf32>
    tpu.vector_store %arg4[%swap3A_458, %swap3A_459], %get3A_457 {strides = array<i32>} : memref<16x100352xf32, #tpu.memory_space<vmem>>, vector<16x128xf32>,
    %reshape3A_461 = vector.shape_cast %get3A_457 : vector<16x128xf32> to vector<16x4x32xf32>
    %reduce_max3A_462 = arith.constant dense<0xFF800000> : vector<16x4xf32>
    %reduce_max3A_463 = vector.multi_reduction <maximumf>, %reshape3A_461, %reduce_max3A_462 [2] : vector<16x4x32xf32> to vector<16x4xf32>
    %get3A_464 = arith.constant 0 : index
    %get3A_465 = arith.constant 98816 : index
    %get3A_466 = vector.load %arg1[%get3A_464, %get3A_465] : memref<16x100000xf32, #tpu.memory_space<vmem>>, vector<16x128xf32>
    %swap3A_467 = arith.constant 0 : index
    %swap3A_468 = arith.constant 98816 : index
    %swap3A_469 = vector.load %arg4[%swap3A_467, %swap3A_468] : memref<16x100352xf32, #tpu.memory_space<vmem>>, vector<16x128xf32>
    tpu.vector_store %arg4[%swap3A_467, %swap3A_468], %get3A_466 {strides = array<i32>} : memref<16x100352xf32, #tpu.memory_space<vmem>>, vector<16x128xf32>,
    %reshape3A_470 = vector.shape_cast %get3A_466 : vector<16x128xf32> to vector<16x4x32xf32>
    %reduce_max3A_471 = arith.constant dense<0xFF800000> : vector<16x4xf32>
    %reduce_max3A_472 = vector.multi_reduction <maximumf>, %reshape3A_470, %reduce_max3A_471 [2] : vector<16x4x32xf32> to vector<16x4xf32>
    %get3A_473 = arith.constant 0 : index
    %get3A_474 = arith.constant 98944 : index
    %get3A_475 = vector.load %arg1[%get3A_473, %get3A_474] : memref<16x100000xf32, #tpu.memory_space<vmem>>, vector<16x128xf32>
    %swap3A_476 = arith.constant 0 : index
    %swap3A_477 = arith.constant 98944 : index
    %swap3A_478 = vector.load %arg4[%swap3A_476, %swap3A_477] : memref<16x100352xf32, #tpu.memory_space<vmem>>, vector<16x128xf32>
    tpu.vector_store %arg4[%swap3A_476, %swap3A_477], %get3A_475 {strides = array<i32>} : memref<16x100352xf32, #tpu.memory_space<vmem>>, vector<16x128xf32>,
    %reshape3A_479 = vector.shape_cast %get3A_475 : vector<16x128xf32> to vector<16x4x32xf32>
    %reduce_max3A_480 = arith.constant dense<0xFF800000> : vector<16x4xf32>
    %reduce_max3A_481 = vector.multi_reduction <maximumf>, %reshape3A_479, %reduce_max3A_480 [2] : vector<16x4x32xf32> to vector<16x4xf32>
    %get3A_482 = arith.constant 0 : index
    %get3A_483 = arith.constant 99072 : index
    %get3A_484 = vector.load %arg1[%get3A_482, %get3A_483] : memref<16x100000xf32, #tpu.memory_space<vmem>>, vector<16x128xf32>
    %swap3A_485 = arith.constant 0 : index
    %swap3A_486 = arith.constant 99072 : index
    %swap3A_487 = vector.load %arg4[%swap3A_485, %swap3A_486] : memref<16x100352xf32, #tpu.memory_space<vmem>>, vector<16x128xf32>
    tpu.vector_store %arg4[%swap3A_485, %swap3A_486], %get3A_484 {strides = array<i32>} : memref<16x100352xf32, #tpu.memory_space<vmem>>, vector<16x128xf32>,
    %reshape3A_488 = vector.shape_cast %get3A_484 : vector<16x128xf32> to vector<16x4x32xf32>
    %reduce_max3A_489 = arith.constant dense<0xFF800000> : vector<16x4xf32>
    %reduce_max3A_490 = vector.multi_reduction <maximumf>, %reshape3A_488, %reduce_max3A_489 [2] : vector<16x4x32xf32> to vector<16x4xf32>
    %get3A_491 = arith.constant 0 : index
    %get3A_492 = arith.constant 99200 : index
    %get3A_493 = vector.load %arg1[%get3A_491, %get3A_492] : memref<16x100000xf32, #tpu.memory_space<vmem>>, vector<16x128xf32>
    %swap3A_494 = arith.constant 0 : index
    %swap3A_495 = arith.constant 99200 : index
    %swap3A_496 = vector.load %arg4[%swap3A_494, %swap3A_495] : memref<16x100352xf32, #tpu.memory_space<vmem>>, vector<16x128xf32>
    tpu.vector_store %arg4[%swap3A_494, %swap3A_495], %get3A_493 {strides = array<i32>} : memref<16x100352xf32, #tpu.memory_space<vmem>>, vector<16x128xf32>,
    %reshape3A_497 = vector.shape_cast %get3A_493 : vector<16x128xf32> to vector<16x4x32xf32>
    %reduce_max3A_498 = arith.constant dense<0xFF800000> : vector<16x4xf32>
    %reduce_max3A_499 = vector.multi_reduction <maximumf>, %reshape3A_497, %reduce_max3A_498 [2] : vector<16x4x32xf32> to vector<16x4xf32>
    %get3A_500 = arith.constant 0 : index
    %get3A_501 = arith.constant 99328 : index
    %get3A_502 = vector.load %arg1[%get3A_500, %get3A_501] : memref<16x100000xf32, #tpu.memory_space<vmem>>, vector<16x128xf32>
    %swap3A_503 = arith.constant 0 : index
    %swap3A_504 = arith.constant 99328 : index
    %swap3A_505 = vector.load %arg4[%swap3A_503, %swap3A_504] : memref<16x100352xf32, #tpu.memory_space<vmem>>, vector<16x128xf32>
    tpu.vector_store %arg4[%swap3A_503, %swap3A_504], %get3A_502 {strides = array<i32>} : memref<16x100352xf32, #tpu.memory_space<vmem>>, vector<16x128xf32>,
    %reshape3A_506 = vector.shape_cast %get3A_502 : vector<16x128xf32> to vector<16x4x32xf32>
    %reduce_max3A_507 = arith.constant dense<0xFF800000> : vector<16x4xf32>
    %reduce_max3A_508 = vector.multi_reduction <maximumf>, %reshape3A_506, %reduce_max3A_507 [2] : vector<16x4x32xf32> to vector<16x4xf32>
    %get3A_509 = arith.constant 0 : index
    %get3A_510 = arith.constant 99456 : index
    %get3A_511 = vector.load %arg1[%get3A_509, %get3A_510] : memref<16x100000xf32, #tpu.memory_space<vmem>>, vector<16x128xf32>
    %swap3A_512 = arith.constant 0 : index
    %swap3A_513 = arith.constant 99456 : index
    %swap3A_514 = vector.load %arg4[%swap3A_512, %swap3A_513] : memref<16x100352xf32, #tpu.memory_space<vmem>>, vector<16x128xf32>
    tpu.vector_store %arg4[%swap3A_512, %swap3A_513], %get3A_511 {strides = array<i32>} : memref<16x100352xf32, #tpu.memory_space<vmem>>, vector<16x128xf32>,
    %reshape3A_515 = vector.shape_cast %get3A_511 : vector<16x128xf32> to vector<16x4x32xf32>
    %reduce_max3A_516 = arith.constant dense<0xFF800000> : vector<16x4xf32>
    %reduce_max3A_517 = vector.multi_reduction <maximumf>, %reshape3A_515, %reduce_max3A_516 [2] : vector<16x4x32xf32> to vector<16x4xf32>
    %get3A_518 = arith.constant 0 : index
    %get3A_519 = arith.constant 99584 : index
    %get3A_520 = vector.load %arg1[%get3A_518, %get3A_519] : memref<16x100000xf32, #tpu.memory_space<vmem>>, vector<16x128xf32>
    %swap3A_521 = arith.constant 0 : index
    %swap3A_522 = arith.constant 99584 : index
    %swap3A_523 = vector.load %arg4[%swap3A_521, %swap3A_522] : memref<16x100352xf32, #tpu.memory_space<vmem>>, vector<16x128xf32>
    tpu.vector_store %arg4[%swap3A_521, %swap3A_522], %get3A_520 {strides = array<i32>} : memref<16x100352xf32, #tpu.memory_space<vmem>>, vector<16x128xf32>,
    %reshape3A_524 = vector.shape_cast %get3A_520 : vector<16x128xf32> to vector<16x4x32xf32>
    %reduce_max3A_525 = arith.constant dense<0xFF800000> : vector<16x4xf32>
    %reduce_max3A_526 = vector.multi_reduction <maximumf>, %reshape3A_524, %reduce_max3A_525 [2] : vector<16x4x32xf32> to vector<16x4xf32>
    %get3A_527 = arith.constant 0 : index
    %get3A_528 = arith.constant 99712 : index
    %get3A_529 = vector.load %arg1[%get3A_527, %get3A_528] : memref<16x100000xf32, #tpu.memory_space<vmem>>, vector<16x128xf32>
    %swap3A_530 = arith.constant 0 : index
    %swap3A_531 = arith.constant 99712 : index
    %swap3A_532 = vector.load %arg4[%swap3A_530, %swap3A_531] : memref<16x100352xf32, #tpu.memory_space<vmem>>, vector<16x128xf32>
    tpu.vector_store %arg4[%swap3A_530, %swap3A_531], %get3A_529 {strides = array<i32>} : memref<16x100352xf32, #tpu.memory_space<vmem>>, vector<16x128xf32>,
    %reshape3A_533 = vector.shape_cast %get3A_529 : vector<16x128xf32> to vector<16x4x32xf32>
    %reduce_max3A_534 = arith.constant dense<0xFF800000> : vector<16x4xf32>
    %reduce_max3A_535 = vector.multi_reduction <maximumf>, %reshape3A_533, %reduce_max3A_534 [2] : vector<16x4x32xf32> to vector<16x4xf32>
    %get3A_536 = arith.constant 0 : index
    %get3A_537 = arith.constant 99840 : index
    %get3A_538 = vector.load %arg1[%get3A_536, %get3A_537] : memref<16x100000xf32, #tpu.memory_space<vmem>>, vector<16x128xf32>
    %swap3A_539 = arith.constant 0 : index
    %swap3A_540 = arith.constant 99840 : index
    %swap3A_541 = vector.load %arg4[%swap3A_539, %swap3A_540] : memref<16x100352xf32, #tpu.memory_space<vmem>>, vector<16x128xf32>
    tpu.vector_store %arg4[%swap3A_539, %swap3A_540], %get3A_538 {strides = array<i32>} : memref<16x100352xf32, #tpu.memory_space<vmem>>, vector<16x128xf32>,
    %reshape3A_542 = vector.shape_cast %get3A_538 : vector<16x128xf32> to vector<16x4x32xf32>
    %reduce_max3A_543 = arith.constant dense<0xFF800000> : vector<16x4xf32>
    %reduce_max3A_544 = vector.multi_reduction <maximumf>, %reshape3A_542, %reduce_max3A_543 [2] : vector<16x4x32xf32> to vector<16x4xf32>
    %get3A_545 = arith.constant 0 : index
    %get3A_546 = arith.constant 99968 : index
    %get3A_547 = vector.load %arg1[%get3A_545, %get3A_546] : memref<16x100000xf32, #tpu.memory_space<vmem>>, vector<16x32xf32>
    %broadcast_in_dim3A = arith.constant 0xFF800000 : f32
    %broadcast_in_dim3A_548 = vector.broadcast %broadcast_in_dim3A : f32 to vector<16x352xf32>
    %concatenate3A = tpu.concatenate %get3A_547, %broadcast_in_dim3A_548 in 1 : vector<16x32xf32>, vector<16x352xf32> -> vector<16x384xf32>
    %swap3A_549 = arith.constant 0 : index
    %swap3A_550 = arith.constant 99968 : index
    %swap3A_551 = vector.load %arg4[%swap3A_549, %swap3A_550] : memref<16x100352xf32, #tpu.memory_space<vmem>>, vector<16x384xf32>
    tpu.vector_store %arg4[%swap3A_549, %swap3A_550], %concatenate3A {strides = array<i32>} : memref<16x100352xf32, #tpu.memory_space<vmem>>, vector<16x384xf32>,
    %reshape3A_552 = vector.shape_cast %get3A_547 : vector<16x32xf32> to vector<16x1x32xf32>
    %reduce_max3A_553 = arith.constant dense<0xFF800000> : vector<16x1xf32>
    %reduce_max3A_554 = vector.multi_reduction <maximumf>, %reshape3A_552, %reduce_max3A_553 [2] : vector<16x1x32xf32> to vector<16x1xf32>
    %broadcast_in_dim3A_555 = arith.constant 0xFF800000 : f32
    %broadcast_in_dim3A_556 = vector.broadcast %broadcast_in_dim3A_555 : f32 to vector<16x11xf32>
    %concatenate3A_557 = tpu.concatenate %reduce_max3A_4, %reduce_max3A_13, %reduce_max3A_22, %reduce_max3A_31, %reduce_max3A_40, %reduce_max3A_49, %reduce_max3A_58, %reduce_max3A_67, %reduce_max3A_76, %reduce_max3A_85, %reduce_max3A_94, %reduce_max3A_103, %reduce_max3A_112, %reduce_max3A_121, %reduce_max3A_130, %reduce_max3A_139, %reduce_max3A_148, %reduce_max3A_157, %reduce_max3A_166, %reduce_max3A_175, %reduce_max3A_184, %reduce_max3A_193, %reduce_max3A_202, %reduce_max3A_211, %reduce_max3A_220, %reduce_max3A_229, %reduce_max3A_238, %reduce_max3A_247, %reduce_max3A_256, %reduce_max3A_265, %reduce_max3A_274, %reduce_max3A_283, %reduce_max3A_292, %reduce_max3A_301, %reduce_max3A_310, %reduce_max3A_319, %reduce_max3A_328, %reduce_max3A_337, %reduce_max3A_346, %reduce_max3A_355, %reduce_max3A_364, %reduce_max3A_373, %reduce_max3A_382, %reduce_max3A_391, %reduce_max3A_400, %reduce_max3A_409, %reduce_max3A_418, %reduce_max3A_427, %reduce_max3A_436, %reduce_max3A_445, %reduce_max3A_454, %reduce_max3A_463, %reduce_max3A_472, %reduce_max3A_481, %reduce_max3A_490, %reduce_max3A_499, %reduce_max3A_508, %reduce_max3A_517, %reduce_max3A_526, %reduce_max3A_535, %reduce_max3A_544, %reduce_max3A_554, %broadcast_in_dim3A_556 in 1 : vector<16x64xf32>, vector<16x64xf32>, vector<16x64xf32>, vector<16x64xf32>, vector<16x64xf32>, vector<16x64xf32>, vector<16x64xf32>, vector<16x64xf32>, vector<16x64xf32>, vector<16x64xf32>, vector<16x64xf32>, vector<16x64xf32>, vector<16x64xf32>, vector<16x64xf32>, vector<16x64xf32>, vector<16x64xf32>, vector<16x64xf32>, vector<16x64xf32>, vector<16x64xf32>, vector<16x64xf32>, vector<16x64xf32>, vector<16x64xf32>, vector<16x64xf32>, vector<16x64xf32>, vector<16x64xf32>, vector<16x64xf32>, vector<16x64xf32>, vector<16x64xf32>, vector<16x64xf32>, vector<16x64xf32>, vector<16x64xf32>, vector<16x64xf32>, vector<16x64xf32>, vector<16x64xf32>, vector<16x64xf32>, vector<16x64xf32>, vector<16x64xf32>, vector<16x64xf32>, vector<16x64xf32>, vector<16x64xf32>, vector<16x64xf32>, vector<16x64xf32>, vector<16x64xf32>, vector<16x64xf32>, vector<16x64xf32>, vector<16x64xf32>, vector<16x64xf32>, vector<16x64xf32>, vector<16x4xf32>, vector<16x4xf32>, vector<16x4xf32>, vector<16x4xf32>, vector<16x4xf32>, vector<16x4xf32>, vector<16x4xf32>, vector<16x4xf32>, vector<16x4xf32>, vector<16x4xf32>, vector<16x4xf32>, vector<16x4xf32>, vector<16x4xf32>, vector<16x1xf32>, vector<16x11xf32> -> vector<16x3136xf32>
    %swap3A_558 = arith.constant 0 : index
    %swap3A_559 = arith.constant 0 : index
    %swap3A_560 = vector.load %arg2[%swap3A_558, %swap3A_559] : memref<16x3136xf32, #tpu.memory_space<vmem>>, vector<16x3136xf32>
    tpu.vector_store %arg2[%swap3A_558, %swap3A_559], %concatenate3A_557 {strides = array<i32>} : memref<16x3136xf32, #tpu.memory_space<vmem>>, vector<16x3136xf32>,
    %reduce_max3A_561 = arith.constant dense<0xFF800000> : vector<16xf32>
    %reduce_max3A_562 = vector.multi_reduction <maximumf>, %concatenate3A_557, %reduce_max3A_561 [1] : vector<16x3136xf32> to vector<16xf32>
    %broadcast_in_dim3A_563 = vector.shape_cast %reduce_max3A_562 : vector<16xf32> to vector<16x1xf32>
    %add3A = arith.constant -2.99573231 : f32
    %add3A_564 = vector.broadcast %add3A : f32 to vector<16x1xf32>
    %add3A_565 = arith.addf %broadcast_in_dim3A_563, %add3A_564 : vector<16x1xf32>
    %broadcast_in_dim3A_566 = vector.shape_cast %add3A_565 : vector<16x1xf32> to vector<16x1xf32>
    %broadcast_in_dim3A_567 = vector.broadcast %broadcast_in_dim3A_566 : vector<16x1xf32> to vector<16x16xf32>
    %swap3A_568 = arith.constant 0 : index
    %swap3A_569 = arith.constant 0 : index
    %swap3A_570 = vector.load %arg3[%swap3A_568, %swap3A_569] : memref<16x16xf32, #tpu.memory_space<vmem>>, vector<16x16xf32>
    tpu.vector_store %arg3[%swap3A_568, %swap3A_569], %broadcast_in_dim3A_567 {strides = array<i32>} : memref<16x16xf32, #tpu.memory_space<vmem>>, vector<16x16xf32>,
    return
  }
  func.func @transform_0(%arg0: i32) -> (i32, i32) {
    %c0_i32 = arith.constant 0 : i32
    %c0_i32_0 = arith.constant 0 : i32
    return %arg0, %c0_i32 : i32, i32
  }
  func.func @transform_1(%arg0: i32) -> (i32, i32) {
    %c0_i32 = arith.constant 0 : i32
    %c0_i32_0 = arith.constant 0 : i32
    return %arg0, %c0_i32 : i32, i32
  }
  func.func @transform_2(%arg0: i32) -> (i32, i32) {
    %c0_i32 = arith.constant 0 : i32
    %c0_i32_0 = arith.constant 0 : i32
    return %arg0, %c0_i32 : i32, i32
  }
  func.func @transform_3(%arg0: i32) -> (i32, i32) {
    %c0_i32 = arith.constant 0 : i32
    %c0_i32_0 = arith.constant 0 : i32
    return %arg0, %c0_i32 : i32, i32
  }
}

module attributes {stable_mosaic.version = 14 : i64} {
  func.func @_pick_body(%arg0: memref<128x1024xi32, #tpu.memory_space<vmem>>, %arg1: memref<128x1024xf32, #tpu.memory_space<vmem>>, %arg2: memref<128x16xi32, #tpu.memory_space<vmem>>, %arg3: memref<128x128xi32, #tpu.memory_space<vmem>>) attributes {dimension_semantics = [], scalar_prefetch = 0 : i64, scratch_operands = 0 : i64, tpu.core_type = #tpu.core_type<tc>} {
    %get3A = arith.constant 0 : index
    %get3A_0 = arith.constant 0 : index
    %get3A_1 = vector.load %arg0[%get3A, %get3A_0] : memref<128x1024xi32, #tpu.memory_space<vmem>>, vector<128x1024xi32>
    %get3A_2 = arith.constant 0 : index
    %get3A_3 = arith.constant 0 : index
    %get3A_4 = vector.load %arg1[%get3A_2, %get3A_3] : memref<128x1024xf32, #tpu.memory_space<vmem>>, vector<128x1024xf32>
    %get3A_5 = arith.constant 0 : index
    %get3A_6 = arith.constant 0 : index
    %get3A_7 = vector.load %arg2[%get3A_5, %get3A_6] : memref<128x16xi32, #tpu.memory_space<vmem>>, vector<128x16xi32>
    %slice3A = vector.extract_strided_slice %get3A_7 {offsets = [0, 0], sizes = [128, 1], strides = [1, 1]} : vector<128x16xi32> to vector<128x1xi32>
    %iota3A = tpu.iota {dimensions = array<i32: 1>} : vector<128x1024xi32>
    %lt3A = vector.broadcast %slice3A : vector<128x1xi32> to vector<128x1024xi32>
    %lt3A_8 = arith.cmpi slt, %iota3A, %lt3A : vector<128x1024xi32>
    %iota3A_9 = tpu.iota {dimensions = array<i32: 0>} : vector<128x1024xi32>
    %mul3A = arith.constant 100000 : i32
    %mul3A_10 = vector.broadcast %mul3A : i32 to vector<128x1024xi32>
    %mul3A_11 = arith.muli %iota3A_9, %mul3A_10 : vector<128x1024xi32>
    %jit3A = arith.constant 0 : i32
    %broadcast_in_dim3A = vector.broadcast %jit3A : i32 to vector<128x1024xi32>
    %select_n3A = arith.select %lt3A_8, %get3A_1, %broadcast_in_dim3A : vector<128x1024xi1>, vector<128x1024xi32>
    %add3A = arith.addi %mul3A_11, %select_n3A : vector<128x1024xi32>
    %broadcast_in_dim3A_12 = arith.constant 0 : i32
    %broadcast_in_dim3A_13 = vector.broadcast %broadcast_in_dim3A_12 : i32 to vector<128x1024xi32>
    %add3A_14 = arith.constant 42 : i32
    %add3A_15 = vector.broadcast %add3A_14 : i32 to vector<128x1024xi32>
    %add3A_16 = arith.addi %add3A, %add3A_15 : vector<128x1024xi32>
    %add3A_17 = arith.addi %broadcast_in_dim3A_13, %add3A_16 : vector<128x1024xi32>
    %shift_left3A = arith.constant 13 : i32
    %shift_left3A_18 = vector.broadcast %shift_left3A : i32 to vector<128x1024xi32>
    %shift_left3A_19 = arith.shli %add3A_16, %shift_left3A_18 : vector<128x1024xi32>
    %shift_right_logical3A = arith.constant 19 : i32
    %shift_right_logical3A_20 = vector.broadcast %shift_right_logical3A : i32 to vector<128x1024xi32>
    %shift_right_logical3A_21 = arith.shrui %add3A_16, %shift_right_logical3A_20 : vector<128x1024xi32>
    %or3A = arith.ori %shift_left3A_19, %shift_right_logical3A_21 : vector<128x1024xi32>
    %xor3A = arith.xori %add3A_17, %or3A : vector<128x1024xi32>
    %add3A_22 = arith.addi %add3A_17, %xor3A : vector<128x1024xi32>
    %shift_left3A_23 = arith.constant 15 : i32
    %shift_left3A_24 = vector.broadcast %shift_left3A_23 : i32 to vector<128x1024xi32>
    %shift_left3A_25 = arith.shli %xor3A, %shift_left3A_24 : vector<128x1024xi32>
    %shift_right_logical3A_26 = arith.constant 17 : i32
    %shift_right_logical3A_27 = vector.broadcast %shift_right_logical3A_26 : i32 to vector<128x1024xi32>
    %shift_right_logical3A_28 = arith.shrui %xor3A, %shift_right_logical3A_27 : vector<128x1024xi32>
    %or3A_29 = arith.ori %shift_left3A_25, %shift_right_logical3A_28 : vector<128x1024xi32>
    %xor3A_30 = arith.xori %add3A_22, %or3A_29 : vector<128x1024xi32>
    %add3A_31 = arith.addi %add3A_22, %xor3A_30 : vector<128x1024xi32>
    %shift_left3A_32 = arith.constant 26 : i32
    %shift_left3A_33 = vector.broadcast %shift_left3A_32 : i32 to vector<128x1024xi32>
    %shift_left3A_34 = arith.shli %xor3A_30, %shift_left3A_33 : vector<128x1024xi32>
    %shift_right_logical3A_35 = arith.constant 6 : i32
    %shift_right_logical3A_36 = vector.broadcast %shift_right_logical3A_35 : i32 to vector<128x1024xi32>
    %shift_right_logical3A_37 = arith.shrui %xor3A_30, %shift_right_logical3A_36 : vector<128x1024xi32>
    %or3A_38 = arith.ori %shift_left3A_34, %shift_right_logical3A_37 : vector<128x1024xi32>
    %xor3A_39 = arith.xori %add3A_31, %or3A_38 : vector<128x1024xi32>
    %add3A_40 = arith.addi %add3A_31, %xor3A_39 : vector<128x1024xi32>
    %shift_left3A_41 = arith.constant 6 : i32
    %shift_left3A_42 = vector.broadcast %shift_left3A_41 : i32 to vector<128x1024xi32>
    %shift_left3A_43 = arith.shli %xor3A_39, %shift_left3A_42 : vector<128x1024xi32>
    %shift_right_logical3A_44 = arith.constant 26 : i32
    %shift_right_logical3A_45 = vector.broadcast %shift_right_logical3A_44 : i32 to vector<128x1024xi32>
    %shift_right_logical3A_46 = arith.shrui %xor3A_39, %shift_right_logical3A_45 : vector<128x1024xi32>
    %or3A_47 = arith.ori %shift_left3A_43, %shift_right_logical3A_46 : vector<128x1024xi32>
    %xor3A_48 = arith.xori %add3A_40, %or3A_47 : vector<128x1024xi32>
    %add3A_49 = arith.constant 42 : i32
    %add3A_50 = vector.broadcast %add3A_49 : i32 to vector<128x1024xi32>
    %add3A_51 = arith.addi %add3A_40, %add3A_50 : vector<128x1024xi32>
    %add3A_52 = arith.constant 466689008 : i32
    %add3A_53 = vector.broadcast %add3A_52 : i32 to vector<128x1024xi32>
    %add3A_54 = arith.addi %xor3A_48, %add3A_53 : vector<128x1024xi32>
    %add3A_55 = arith.constant 1 : i32
    %add3A_56 = vector.broadcast %add3A_55 : i32 to vector<128x1024xi32>
    %add3A_57 = arith.addi %add3A_54, %add3A_56 : vector<128x1024xi32>
    %add3A_58 = arith.addi %add3A_51, %add3A_57 : vector<128x1024xi32>
    %shift_left3A_59 = arith.constant 17 : i32
    %shift_left3A_60 = vector.broadcast %shift_left3A_59 : i32 to vector<128x1024xi32>
    %shift_left3A_61 = arith.shli %add3A_57, %shift_left3A_60 : vector<128x1024xi32>
    %shift_right_logical3A_62 = arith.constant 15 : i32
    %shift_right_logical3A_63 = vector.broadcast %shift_right_logical3A_62 : i32 to vector<128x1024xi32>
    %shift_right_logical3A_64 = arith.shrui %add3A_57, %shift_right_logical3A_63 : vector<128x1024xi32>
    %or3A_65 = arith.ori %shift_left3A_61, %shift_right_logical3A_64 : vector<128x1024xi32>
    %xor3A_66 = arith.xori %add3A_58, %or3A_65 : vector<128x1024xi32>
    %add3A_67 = arith.addi %add3A_58, %xor3A_66 : vector<128x1024xi32>
    %shift_left3A_68 = arith.constant 29 : i32
    %shift_left3A_69 = vector.broadcast %shift_left3A_68 : i32 to vector<128x1024xi32>
    %shift_left3A_70 = arith.shli %xor3A_66, %shift_left3A_69 : vector<128x1024xi32>
    %shift_right_logical3A_71 = arith.constant 3 : i32
    %shift_right_logical3A_72 = vector.broadcast %shift_right_logical3A_71 : i32 to vector<128x1024xi32>
    %shift_right_logical3A_73 = arith.shrui %xor3A_66, %shift_right_logical3A_72 : vector<128x1024xi32>
    %or3A_74 = arith.ori %shift_left3A_70, %shift_right_logical3A_73 : vector<128x1024xi32>
    %xor3A_75 = arith.xori %add3A_67, %or3A_74 : vector<128x1024xi32>
    %add3A_76 = arith.addi %add3A_67, %xor3A_75 : vector<128x1024xi32>
    %shift_left3A_77 = arith.constant 16 : i32
    %shift_left3A_78 = vector.broadcast %shift_left3A_77 : i32 to vector<128x1024xi32>
    %shift_left3A_79 = arith.shli %xor3A_75, %shift_left3A_78 : vector<128x1024xi32>
    %shift_right_logical3A_80 = arith.constant 16 : i32
    %shift_right_logical3A_81 = vector.broadcast %shift_right_logical3A_80 : i32 to vector<128x1024xi32>
    %shift_right_logical3A_82 = arith.shrui %xor3A_75, %shift_right_logical3A_81 : vector<128x1024xi32>
    %or3A_83 = arith.ori %shift_left3A_79, %shift_right_logical3A_82 : vector<128x1024xi32>
    %xor3A_84 = arith.xori %add3A_76, %or3A_83 : vector<128x1024xi32>
    %add3A_85 = arith.addi %add3A_76, %xor3A_84 : vector<128x1024xi32>
    %shift_left3A_86 = arith.constant 24 : i32
    %shift_left3A_87 = vector.broadcast %shift_left3A_86 : i32 to vector<128x1024xi32>
    %shift_left3A_88 = arith.shli %xor3A_84, %shift_left3A_87 : vector<128x1024xi32>
    %shift_right_logical3A_89 = arith.constant 8 : i32
    %shift_right_logical3A_90 = vector.broadcast %shift_right_logical3A_89 : i32 to vector<128x1024xi32>
    %shift_right_logical3A_91 = arith.shrui %xor3A_84, %shift_right_logical3A_90 : vector<128x1024xi32>
    %or3A_92 = arith.ori %shift_left3A_88, %shift_right_logical3A_91 : vector<128x1024xi32>
    %xor3A_93 = arith.xori %add3A_85, %or3A_92 : vector<128x1024xi32>
    %add3A_94 = arith.constant 466689008 : i32
    %add3A_95 = vector.broadcast %add3A_94 : i32 to vector<128x1024xi32>
    %add3A_96 = arith.addi %add3A_85, %add3A_95 : vector<128x1024xi32>
    %add3A_97 = arith.constant 0 : i32
    %add3A_98 = vector.broadcast %add3A_97 : i32 to vector<128x1024xi32>
    %add3A_99 = arith.addi %xor3A_93, %add3A_98 : vector<128x1024xi32>
    %add3A_100 = arith.constant 2 : i32
    %add3A_101 = vector.broadcast %add3A_100 : i32 to vector<128x1024xi32>
    %add3A_102 = arith.addi %add3A_99, %add3A_101 : vector<128x1024xi32>
    %add3A_103 = arith.addi %add3A_96, %add3A_102 : vector<128x1024xi32>
    %shift_left3A_104 = arith.constant 13 : i32
    %shift_left3A_105 = vector.broadcast %shift_left3A_104 : i32 to vector<128x1024xi32>
    %shift_left3A_106 = arith.shli %add3A_102, %shift_left3A_105 : vector<128x1024xi32>
    %shift_right_logical3A_107 = arith.constant 19 : i32
    %shift_right_logical3A_108 = vector.broadcast %shift_right_logical3A_107 : i32 to vector<128x1024xi32>
    %shift_right_logical3A_109 = arith.shrui %add3A_102, %shift_right_logical3A_108 : vector<128x1024xi32>
    %or3A_110 = arith.ori %shift_left3A_106, %shift_right_logical3A_109 : vector<128x1024xi32>
    %xor3A_111 = arith.xori %add3A_103, %or3A_110 : vector<128x1024xi32>
    %add3A_112 = arith.addi %add3A_103, %xor3A_111 : vector<128x1024xi32>
    %shift_left3A_113 = arith.constant 15 : i32
    %shift_left3A_114 = vector.broadcast %shift_left3A_113 : i32 to vector<128x1024xi32>
    %shift_left3A_115 = arith.shli %xor3A_111, %shift_left3A_114 : vector<128x1024xi32>
    %shift_right_logical3A_116 = arith.constant 17 : i32
    %shift_right_logical3A_117 = vector.broadcast %shift_right_logical3A_116 : i32 to vector<128x1024xi32>
    %shift_right_logical3A_118 = arith.shrui %xor3A_111, %shift_right_logical3A_117 : vector<128x1024xi32>
    %or3A_119 = arith.ori %shift_left3A_115, %shift_right_logical3A_118 : vector<128x1024xi32>
    %xor3A_120 = arith.xori %add3A_112, %or3A_119 : vector<128x1024xi32>
    %add3A_121 = arith.addi %add3A_112, %xor3A_120 : vector<128x1024xi32>
    %shift_left3A_122 = arith.constant 26 : i32
    %shift_left3A_123 = vector.broadcast %shift_left3A_122 : i32 to vector<128x1024xi32>
    %shift_left3A_124 = arith.shli %xor3A_120, %shift_left3A_123 : vector<128x1024xi32>
    %shift_right_logical3A_125 = arith.constant 6 : i32
    %shift_right_logical3A_126 = vector.broadcast %shift_right_logical3A_125 : i32 to vector<128x1024xi32>
    %shift_right_logical3A_127 = arith.shrui %xor3A_120, %shift_right_logical3A_126 : vector<128x1024xi32>
    %or3A_128 = arith.ori %shift_left3A_124, %shift_right_logical3A_127 : vector<128x1024xi32>
    %xor3A_129 = arith.xori %add3A_121, %or3A_128 : vector<128x1024xi32>
    %add3A_130 = arith.addi %add3A_121, %xor3A_129 : vector<128x1024xi32>
    %shift_left3A_131 = arith.constant 6 : i32
    %shift_left3A_132 = vector.broadcast %shift_left3A_131 : i32 to vector<128x1024xi32>
    %shift_left3A_133 = arith.shli %xor3A_129, %shift_left3A_132 : vector<128x1024xi32>
    %shift_right_logical3A_134 = arith.constant 26 : i32
    %shift_right_logical3A_135 = vector.broadcast %shift_right_logical3A_134 : i32 to vector<128x1024xi32>
    %shift_right_logical3A_136 = arith.shrui %xor3A_129, %shift_right_logical3A_135 : vector<128x1024xi32>
    %or3A_137 = arith.ori %shift_left3A_133, %shift_right_logical3A_136 : vector<128x1024xi32>
    %xor3A_138 = arith.xori %add3A_130, %or3A_137 : vector<128x1024xi32>
    %add3A_139 = arith.constant 0 : i32
    %add3A_140 = vector.broadcast %add3A_139 : i32 to vector<128x1024xi32>
    %add3A_141 = arith.addi %add3A_130, %add3A_140 : vector<128x1024xi32>
    %add3A_142 = arith.constant 42 : i32
    %add3A_143 = vector.broadcast %add3A_142 : i32 to vector<128x1024xi32>
    %add3A_144 = arith.addi %xor3A_138, %add3A_143 : vector<128x1024xi32>
    %add3A_145 = arith.constant 3 : i32
    %add3A_146 = vector.broadcast %add3A_145 : i32 to vector<128x1024xi32>
    %add3A_147 = arith.addi %add3A_144, %add3A_146 : vector<128x1024xi32>
    %add3A_148 = arith.addi %add3A_141, %add3A_147 : vector<128x1024xi32>
    %shift_left3A_149 = arith.constant 17 : i32
    %shift_left3A_150 = vector.broadcast %shift_left3A_149 : i32 to vector<128x1024xi32>
    %shift_left3A_151 = arith.shli %add3A_147, %shift_left3A_150 : vector<128x1024xi32>
    %shift_right_logical3A_152 = arith.constant 15 : i32
    %shift_right_logical3A_153 = vector.broadcast %shift_right_logical3A_152 : i32 to vector<128x1024xi32>
    %shift_right_logical3A_154 = arith.shrui %add3A_147, %shift_right_logical3A_153 : vector<128x1024xi32>
    %or3A_155 = arith.ori %shift_left3A_151, %shift_right_logical3A_154 : vector<128x1024xi32>
    %xor3A_156 = arith.xori %add3A_148, %or3A_155 : vector<128x1024xi32>
    %add3A_157 = arith.addi %add3A_148, %xor3A_156 : vector<128x1024xi32>
    %shift_left3A_158 = arith.constant 29 : i32
    %shift_left3A_159 = vector.broadcast %shift_left3A_158 : i32 to vector<128x1024xi32>
    %shift_left3A_160 = arith.shli %xor3A_156, %shift_left3A_159 : vector<128x1024xi32>
    %shift_right_logical3A_161 = arith.constant 3 : i32
    %shift_right_logical3A_162 = vector.broadcast %shift_right_logical3A_161 : i32 to vector<128x1024xi32>
    %shift_right_logical3A_163 = arith.shrui %xor3A_156, %shift_right_logical3A_162 : vector<128x1024xi32>
    %or3A_164 = arith.ori %shift_left3A_160, %shift_right_logical3A_163 : vector<128x1024xi32>
    %xor3A_165 = arith.xori %add3A_157, %or3A_164 : vector<128x1024xi32>
    %add3A_166 = arith.addi %add3A_157, %xor3A_165 : vector<128x1024xi32>
    %shift_left3A_167 = arith.constant 16 : i32
    %shift_left3A_168 = vector.broadcast %shift_left3A_167 : i32 to vector<128x1024xi32>
    %shift_left3A_169 = arith.shli %xor3A_165, %shift_left3A_168 : vector<128x1024xi32>
    %shift_right_logical3A_170 = arith.constant 16 : i32
    %shift_right_logical3A_171 = vector.broadcast %shift_right_logical3A_170 : i32 to vector<128x1024xi32>
    %shift_right_logical3A_172 = arith.shrui %xor3A_165, %shift_right_logical3A_171 : vector<128x1024xi32>
    %or3A_173 = arith.ori %shift_left3A_169, %shift_right_logical3A_172 : vector<128x1024xi32>
    %xor3A_174 = arith.xori %add3A_166, %or3A_173 : vector<128x1024xi32>
    %add3A_175 = arith.addi %add3A_166, %xor3A_174 : vector<128x1024xi32>
    %shift_left3A_176 = arith.constant 24 : i32
    %shift_left3A_177 = vector.broadcast %shift_left3A_176 : i32 to vector<128x1024xi32>
    %shift_left3A_178 = arith.shli %xor3A_174, %shift_left3A_177 : vector<128x1024xi32>
    %shift_right_logical3A_179 = arith.constant 8 : i32
    %shift_right_logical3A_180 = vector.broadcast %shift_right_logical3A_179 : i32 to vector<128x1024xi32>
    %shift_right_logical3A_181 = arith.shrui %xor3A_174, %shift_right_logical3A_180 : vector<128x1024xi32>
    %or3A_182 = arith.ori %shift_left3A_178, %shift_right_logical3A_181 : vector<128x1024xi32>
    %xor3A_183 = arith.xori %add3A_175, %or3A_182 : vector<128x1024xi32>
    %add3A_184 = arith.constant 42 : i32
    %add3A_185 = vector.broadcast %add3A_184 : i32 to vector<128x1024xi32>
    %add3A_186 = arith.addi %add3A_175, %add3A_185 : vector<128x1024xi32>
    %add3A_187 = arith.constant 466689008 : i32
    %add3A_188 = vector.broadcast %add3A_187 : i32 to vector<128x1024xi32>
    %add3A_189 = arith.addi %xor3A_183, %add3A_188 : vector<128x1024xi32>
    %add3A_190 = arith.constant 4 : i32
    %add3A_191 = vector.broadcast %add3A_190 : i32 to vector<128x1024xi32>
    %add3A_192 = arith.addi %add3A_189, %add3A_191 : vector<128x1024xi32>
    %add3A_193 = arith.addi %add3A_186, %add3A_192 : vector<128x1024xi32>
    %shift_left3A_194 = arith.constant 13 : i32
    %shift_left3A_195 = vector.broadcast %shift_left3A_194 : i32 to vector<128x1024xi32>
    %shift_left3A_196 = arith.shli %add3A_192, %shift_left3A_195 : vector<128x1024xi32>
    %shift_right_logical3A_197 = arith.constant 19 : i32
    %shift_right_logical3A_198 = vector.broadcast %shift_right_logical3A_197 : i32 to vector<128x1024xi32>
    %shift_right_logical3A_199 = arith.shrui %add3A_192, %shift_right_logical3A_198 : vector<128x1024xi32>
    %or3A_200 = arith.ori %shift_left3A_196, %shift_right_logical3A_199 : vector<128x1024xi32>
    %xor3A_201 = arith.xori %add3A_193, %or3A_200 : vector<128x1024xi32>
    %add3A_202 = arith.addi %add3A_193, %xor3A_201 : vector<128x1024xi32>
    %shift_left3A_203 = arith.constant 15 : i32
    %shift_left3A_204 = vector.broadcast %shift_left3A_203 : i32 to vector<128x1024xi32>
    %shift_left3A_205 = arith.shli %xor3A_201, %shift_left3A_204 : vector<128x1024xi32>
    %shift_right_logical3A_206 = arith.constant 17 : i32
    %shift_right_logical3A_207 = vector.broadcast %shift_right_logical3A_206 : i32 to vector<128x1024xi32>
    %shift_right_logical3A_208 = arith.shrui %xor3A_201, %shift_right_logical3A_207 : vector<128x1024xi32>
    %or3A_209 = arith.ori %shift_left3A_205, %shift_right_logical3A_208 : vector<128x1024xi32>
    %xor3A_210 = arith.xori %add3A_202, %or3A_209 : vector<128x1024xi32>
    %add3A_211 = arith.addi %add3A_202, %xor3A_210 : vector<128x1024xi32>
    %shift_left3A_212 = arith.constant 26 : i32
    %shift_left3A_213 = vector.broadcast %shift_left3A_212 : i32 to vector<128x1024xi32>
    %shift_left3A_214 = arith.shli %xor3A_210, %shift_left3A_213 : vector<128x1024xi32>
    %shift_right_logical3A_215 = arith.constant 6 : i32
    %shift_right_logical3A_216 = vector.broadcast %shift_right_logical3A_215 : i32 to vector<128x1024xi32>
    %shift_right_logical3A_217 = arith.shrui %xor3A_210, %shift_right_logical3A_216 : vector<128x1024xi32>
    %or3A_218 = arith.ori %shift_left3A_214, %shift_right_logical3A_217 : vector<128x1024xi32>
    %xor3A_219 = arith.xori %add3A_211, %or3A_218 : vector<128x1024xi32>
    %add3A_220 = arith.addi %add3A_211, %xor3A_219 : vector<128x1024xi32>
    %shift_left3A_221 = arith.constant 6 : i32
    %shift_left3A_222 = vector.broadcast %shift_left3A_221 : i32 to vector<128x1024xi32>
    %shift_left3A_223 = arith.shli %xor3A_219, %shift_left3A_222 : vector<128x1024xi32>
    %shift_right_logical3A_224 = arith.constant 26 : i32
    %shift_right_logical3A_225 = vector.broadcast %shift_right_logical3A_224 : i32 to vector<128x1024xi32>
    %shift_right_logical3A_226 = arith.shrui %xor3A_219, %shift_right_logical3A_225 : vector<128x1024xi32>
    %or3A_227 = arith.ori %shift_left3A_223, %shift_right_logical3A_226 : vector<128x1024xi32>
    %xor3A_228 = arith.xori %add3A_220, %or3A_227 : vector<128x1024xi32>
    %add3A_229 = arith.constant 466689008 : i32
    %add3A_230 = vector.broadcast %add3A_229 : i32 to vector<128x1024xi32>
    %add3A_231 = arith.addi %add3A_220, %add3A_230 : vector<128x1024xi32>
    %add3A_232 = arith.constant 0 : i32
    %add3A_233 = vector.broadcast %add3A_232 : i32 to vector<128x1024xi32>
    %add3A_234 = arith.addi %xor3A_228, %add3A_233 : vector<128x1024xi32>
    %add3A_235 = arith.constant 5 : i32
    %add3A_236 = vector.broadcast %add3A_235 : i32 to vector<128x1024xi32>
    %add3A_237 = arith.addi %add3A_234, %add3A_236 : vector<128x1024xi32>
    %xor3A_238 = arith.xori %add3A_231, %add3A_237 : vector<128x1024xi32>
    %shift_right_logical3A_239 = arith.constant 9 : i32
    %shift_right_logical3A_240 = vector.broadcast %shift_right_logical3A_239 : i32 to vector<128x1024xi32>
    %shift_right_logical3A_241 = arith.shrui %xor3A_238, %shift_right_logical3A_240 : vector<128x1024xi32>
    %or3A_242 = arith.constant 1065353216 : i32
    %or3A_243 = vector.broadcast %or3A_242 : i32 to vector<128x1024xi32>
    %or3A_244 = arith.ori %shift_right_logical3A_241, %or3A_243 : vector<128x1024xi32>
    %bitcast_convert_type3A = tpu.bitcast %or3A_244 : vector<128x1024xi32> -> vector<128x1024xf32>
    %sub3A = arith.constant 1.000000e+00 : f32
    %sub3A_245 = vector.broadcast %sub3A : f32 to vector<128x1024xf32>
    %sub3A_246 = arith.subf %bitcast_convert_type3A, %sub3A_245 : vector<128x1024xf32>
    %max3A = arith.constant 1.17549435E-38 : f32
    %max3A_247 = vector.broadcast %max3A : f32 to vector<128x1024xf32>
    %max3A_248 = arith.maximumf %sub3A_246, %max3A_247 : vector<128x1024xf32>
    %log3A = math.log %max3A_248 : vector<128x1024xf32>
    %neg3A = arith.constant 0.000000e+00 : f32
    %neg3A_249 = vector.broadcast %neg3A : f32 to vector<128x1024xf32>
    %neg3A_250 = arith.subf %neg3A_249, %log3A : vector<128x1024xf32>
    %log3A_251 = math.log %neg3A_250 : vector<128x1024xf32>
    %neg3A_252 = arith.constant 0.000000e+00 : f32
    %neg3A_253 = vector.broadcast %neg3A_252 : f32 to vector<128x1024xf32>
    %neg3A_254 = arith.subf %neg3A_253, %log3A_251 : vector<128x1024xf32>
    %add3A_255 = arith.addf %get3A_4, %neg3A_254 : vector<128x1024xf32>
    %jit3A_256 = arith.constant 0xFF800000 : f32
    %broadcast_in_dim3A_257 = vector.broadcast %jit3A_256 : f32 to vector<128x1024xf32>
    %select_n3A_258 = arith.select %lt3A_8, %add3A_255, %broadcast_in_dim3A_257 : vector<128x1024xi1>, vector<128x1024xf32>
    %reduce_max3A = arith.constant dense<0xFF800000> : vector<128xf32>
    %reduce_max3A_259 = vector.multi_reduction <maximumf>, %select_n3A_258, %reduce_max3A [1] : vector<128x1024xf32> to vector<128xf32>
    %broadcast_in_dim3A_260 = vector.shape_cast %reduce_max3A_259 : vector<128xf32> to vector<128x1xf32>
    %eq3A = vector.broadcast %broadcast_in_dim3A_260 : vector<128x1xf32> to vector<128x1024xf32>
    %eq3A_261 = arith.cmpf oeq, %select_n3A_258, %eq3A : vector<128x1024xf32>
    %jit3A_262 = arith.constant 100001 : i32
    %broadcast_in_dim3A_263 = vector.broadcast %jit3A_262 : i32 to vector<128x1024xi32>
    %select_n3A_264 = arith.select %eq3A_261, %get3A_1, %broadcast_in_dim3A_263 : vector<128x1024xi1>, vector<128x1024xi32>
    %reduce_min3A = arith.constant dense<2147483647> : vector<128xi32>
    %reduce_min3A_265 = vector.multi_reduction <minsi>, %select_n3A_264, %reduce_min3A [1] : vector<128x1024xi32> to vector<128xi32>
    %broadcast_in_dim3A_266 = vector.shape_cast %reduce_min3A_265 : vector<128xi32> to vector<128x1xi32>
    %broadcast_in_dim3A_267 = vector.shape_cast %broadcast_in_dim3A_266 : vector<128x1xi32> to vector<128x1xi32>
    %broadcast_in_dim3A_268 = vector.broadcast %broadcast_in_dim3A_267 : vector<128x1xi32> to vector<128x128xi32>
    %swap3A = arith.constant 0 : index
    %swap3A_269 = arith.constant 0 : index
    %swap3A_270 = vector.load %arg3[%swap3A, %swap3A_269] : memref<128x128xi32, #tpu.memory_space<vmem>>, vector<128x128xi32>
    tpu.vector_store %arg3[%swap3A, %swap3A_269], %broadcast_in_dim3A_268 {strides = array<i32>} : memref<128x128xi32, #tpu.memory_space<vmem>>, vector<128x128xi32>,
    return
  }
}

module attributes {stable_mosaic.version = 14 : i64} {
  func.func @_dense_body(%arg0: i32, %arg1: memref<16x100352xf32, #tpu.memory_space<vmem>>, %arg2: memref<16x128xi32, #tpu.memory_space<vmem>>, %arg3: memref<16x100352xf32, #tpu.memory_space<vmem>>) attributes {dimension_semantics = [#tpu.dimension_semantics<arbitrary>], iteration_bounds = array<i64: 8>, scalar_prefetch = 0 : i64, scratch_operands = 1 : i64, tpu.core_type = #tpu.core_type<tc>, window_params = [{transform_indices = @transform_0, window_bounds = array<i64: 16, 100352>}, {transform_indices = @transform_1, window_bounds = array<i64: 16, 128>}]} {
    %get3A = arith.constant 0 : index
    %get3A_0 = arith.constant 0 : index
    %get3A_1 = vector.load %arg1[%get3A, %get3A_0] : memref<16x100352xf32, #tpu.memory_space<vmem>>, vector<16x100352xf32>
    %reduce_max3A = arith.constant dense<0xFF800000> : vector<16xf32>
    %reduce_max3A_2 = vector.multi_reduction <maximumf>, %get3A_1, %reduce_max3A [1] : vector<16x100352xf32> to vector<16xf32>
    %broadcast_in_dim3A = vector.shape_cast %reduce_max3A_2 : vector<16xf32> to vector<16x1xf32>
    %add3A = arith.constant -2.99573231 : f32
    %add3A_3 = vector.broadcast %add3A : f32 to vector<16x1xf32>
    %add3A_4 = arith.addf %broadcast_in_dim3A, %add3A_3 : vector<16x1xf32>
    %mul3A = arith.constant 16 : i32
    %mul3A_5 = arith.muli %arg0, %mul3A : i32
    %iota3A = tpu.iota {dimensions = array<i32: 0>} : vector<16x2048xi32>
    %add3A_6 = vector.broadcast %mul3A_5 : i32 to vector<16x2048xi32>
    %add3A_7 = arith.addi %add3A_6, %iota3A : vector<16x2048xi32>
    %iota3A_8 = tpu.iota {dimensions = array<i32: 1>} : vector<16x2048xi32>
    %scan3A = arith.constant 0 : i32
    %scan3A_9 = arith.constant 49 : i32
    %scan3A_10 = arith.addi %scan3A, %scan3A_9 : i32
    %scan3A_11 = arith.constant 1 : i32
    scf.for %scan3A_28 = %scan3A to %scan3A_10 step %scan3A_11  : i32 {
      %mul3A_29 = arith.constant 2048 : i32
      %mul3A_30 = arith.muli %scan3A_28, %mul3A_29 : i32
      %multiple_of3A = tpu.assume_multiple %mul3A_30, 2048 : i32
      %get3A_31 = arith.constant 0 : index
      %get3A_32 = arith.index_cast %multiple_of3A : i32 to index
      %get3A_33 = vector.load %arg1[%get3A_31, %get3A_32] : memref<16x100352xf32, #tpu.memory_space<vmem>>, vector<16x2048xf32>
      %mul3A_34 = arith.constant 100000 : i32
      %mul3A_35 = vector.broadcast %mul3A_34 : i32 to vector<16x2048xi32>
      %mul3A_36 = arith.muli %add3A_7, %mul3A_35 : vector<16x2048xi32>
      %mul3A_37 = arith.constant 2048 : i32
      %mul3A_38 = arith.muli %scan3A_28, %mul3A_37 : i32
      %add3A_39 = vector.broadcast %mul3A_38 : i32 to vector<16x2048xi32>
      %add3A_40 = arith.addi %add3A_39, %iota3A_8 : vector<16x2048xi32>
      %add3A_41 = arith.addi %mul3A_36, %add3A_40 : vector<16x2048xi32>
      %broadcast_in_dim3A_42 = arith.constant 0 : i32
      %broadcast_in_dim3A_43 = vector.broadcast %broadcast_in_dim3A_42 : i32 to vector<16x2048xi32>
      %add3A_44 = arith.constant 42 : i32
      %add3A_45 = vector.broadcast %add3A_44 : i32 to vector<16x2048xi32>
      %add3A_46 = arith.addi %add3A_41, %add3A_45 : vector<16x2048xi32>
      %add3A_47 = arith.addi %broadcast_in_dim3A_43, %add3A_46 : vector<16x2048xi32>
      %shift_left3A = arith.constant 13 : i32
      %shift_left3A_48 = vector.broadcast %shift_left3A : i32 to vector<16x2048xi32>
      %shift_left3A_49 = arith.shli %add3A_46, %shift_left3A_48 : vector<16x2048xi32>
      %shift_right_logical3A = arith.constant 19 : i32
      %shift_right_logical3A_50 = vector.broadcast %shift_right_logical3A : i32 to vector<16x2048xi32>
      %shift_right_logical3A_51 = arith.shrui %add3A_46, %shift_right_logical3A_50 : vector<16x2048xi32>
      %or3A = arith.ori %shift_left3A_49, %shift_right_logical3A_51 : vector<16x2048xi32>
      %xor3A = arith.xori %add3A_47, %or3A : vector<16x2048xi32>
      %add3A_52 = arith.addi %add3A_47, %xor3A : vector<16x2048xi32>
      %shift_left3A_53 = arith.constant 15 : i32
      %shift_left3A_54 = vector.broadcast %shift_left3A_53 : i32 to vector<16x2048xi32>
      %shift_left3A_55 = arith.shli %xor3A, %shift_left3A_54 : vector<16x2048xi32>
      %shift_right_logical3A_56 = arith.constant 17 : i32
      %shift_right_logical3A_57 = vector.broadcast %shift_right_logical3A_56 : i32 to vector<16x2048xi32>
      %shift_right_logical3A_58 = arith.shrui %xor3A, %shift_right_logical3A_57 : vector<16x2048xi32>
      %or3A_59 = arith.ori %shift_left3A_55, %shift_right_logical3A_58 : vector<16x2048xi32>
      %xor3A_60 = arith.xori %add3A_52, %or3A_59 : vector<16x2048xi32>
      %add3A_61 = arith.addi %add3A_52, %xor3A_60 : vector<16x2048xi32>
      %shift_left3A_62 = arith.constant 26 : i32
      %shift_left3A_63 = vector.broadcast %shift_left3A_62 : i32 to vector<16x2048xi32>
      %shift_left3A_64 = arith.shli %xor3A_60, %shift_left3A_63 : vector<16x2048xi32>
      %shift_right_logical3A_65 = arith.constant 6 : i32
      %shift_right_logical3A_66 = vector.broadcast %shift_right_logical3A_65 : i32 to vector<16x2048xi32>
      %shift_right_logical3A_67 = arith.shrui %xor3A_60, %shift_right_logical3A_66 : vector<16x2048xi32>
      %or3A_68 = arith.ori %shift_left3A_64, %shift_right_logical3A_67 : vector<16x2048xi32>
      %xor3A_69 = arith.xori %add3A_61, %or3A_68 : vector<16x2048xi32>
      %add3A_70 = arith.addi %add3A_61, %xor3A_69 : vector<16x2048xi32>
      %shift_left3A_71 = arith.constant 6 : i32
      %shift_left3A_72 = vector.broadcast %shift_left3A_71 : i32 to vector<16x2048xi32>
      %shift_left3A_73 = arith.shli %xor3A_69, %shift_left3A_72 : vector<16x2048xi32>
      %shift_right_logical3A_74 = arith.constant 26 : i32
      %shift_right_logical3A_75 = vector.broadcast %shift_right_logical3A_74 : i32 to vector<16x2048xi32>
      %shift_right_logical3A_76 = arith.shrui %xor3A_69, %shift_right_logical3A_75 : vector<16x2048xi32>
      %or3A_77 = arith.ori %shift_left3A_73, %shift_right_logical3A_76 : vector<16x2048xi32>
      %xor3A_78 = arith.xori %add3A_70, %or3A_77 : vector<16x2048xi32>
      %add3A_79 = arith.constant 42 : i32
      %add3A_80 = vector.broadcast %add3A_79 : i32 to vector<16x2048xi32>
      %add3A_81 = arith.addi %add3A_70, %add3A_80 : vector<16x2048xi32>
      %add3A_82 = arith.constant 466689008 : i32
      %add3A_83 = vector.broadcast %add3A_82 : i32 to vector<16x2048xi32>
      %add3A_84 = arith.addi %xor3A_78, %add3A_83 : vector<16x2048xi32>
      %add3A_85 = arith.constant 1 : i32
      %add3A_86 = vector.broadcast %add3A_85 : i32 to vector<16x2048xi32>
      %add3A_87 = arith.addi %add3A_84, %add3A_86 : vector<16x2048xi32>
      %add3A_88 = arith.addi %add3A_81, %add3A_87 : vector<16x2048xi32>
      %shift_left3A_89 = arith.constant 17 : i32
      %shift_left3A_90 = vector.broadcast %shift_left3A_89 : i32 to vector<16x2048xi32>
      %shift_left3A_91 = arith.shli %add3A_87, %shift_left3A_90 : vector<16x2048xi32>
      %shift_right_logical3A_92 = arith.constant 15 : i32
      %shift_right_logical3A_93 = vector.broadcast %shift_right_logical3A_92 : i32 to vector<16x2048xi32>
      %shift_right_logical3A_94 = arith.shrui %add3A_87, %shift_right_logical3A_93 : vector<16x2048xi32>
      %or3A_95 = arith.ori %shift_left3A_91, %shift_right_logical3A_94 : vector<16x2048xi32>
      %xor3A_96 = arith.xori %add3A_88, %or3A_95 : vector<16x2048xi32>
      %add3A_97 = arith.addi %add3A_88, %xor3A_96 : vector<16x2048xi32>
      %shift_left3A_98 = arith.constant 29 : i32
      %shift_left3A_99 = vector.broadcast %shift_left3A_98 : i32 to vector<16x2048xi32>
      %shift_left3A_100 = arith.shli %xor3A_96, %shift_left3A_99 : vector<16x2048xi32>
      %shift_right_logical3A_101 = arith.constant 3 : i32
      %shift_right_logical3A_102 = vector.broadcast %shift_right_logical3A_101 : i32 to vector<16x2048xi32>
      %shift_right_logical3A_103 = arith.shrui %xor3A_96, %shift_right_logical3A_102 : vector<16x2048xi32>
      %or3A_104 = arith.ori %shift_left3A_100, %shift_right_logical3A_103 : vector<16x2048xi32>
      %xor3A_105 = arith.xori %add3A_97, %or3A_104 : vector<16x2048xi32>
      %add3A_106 = arith.addi %add3A_97, %xor3A_105 : vector<16x2048xi32>
      %shift_left3A_107 = arith.constant 16 : i32
      %shift_left3A_108 = vector.broadcast %shift_left3A_107 : i32 to vector<16x2048xi32>
      %shift_left3A_109 = arith.shli %xor3A_105, %shift_left3A_108 : vector<16x2048xi32>
      %shift_right_logical3A_110 = arith.constant 16 : i32
      %shift_right_logical3A_111 = vector.broadcast %shift_right_logical3A_110 : i32 to vector<16x2048xi32>
      %shift_right_logical3A_112 = arith.shrui %xor3A_105, %shift_right_logical3A_111 : vector<16x2048xi32>
      %or3A_113 = arith.ori %shift_left3A_109, %shift_right_logical3A_112 : vector<16x2048xi32>
      %xor3A_114 = arith.xori %add3A_106, %or3A_113 : vector<16x2048xi32>
      %add3A_115 = arith.addi %add3A_106, %xor3A_114 : vector<16x2048xi32>
      %shift_left3A_116 = arith.constant 24 : i32
      %shift_left3A_117 = vector.broadcast %shift_left3A_116 : i32 to vector<16x2048xi32>
      %shift_left3A_118 = arith.shli %xor3A_114, %shift_left3A_117 : vector<16x2048xi32>
      %shift_right_logical3A_119 = arith.constant 8 : i32
      %shift_right_logical3A_120 = vector.broadcast %shift_right_logical3A_119 : i32 to vector<16x2048xi32>
      %shift_right_logical3A_121 = arith.shrui %xor3A_114, %shift_right_logical3A_120 : vector<16x2048xi32>
      %or3A_122 = arith.ori %shift_left3A_118, %shift_right_logical3A_121 : vector<16x2048xi32>
      %xor3A_123 = arith.xori %add3A_115, %or3A_122 : vector<16x2048xi32>
      %add3A_124 = arith.constant 466689008 : i32
      %add3A_125 = vector.broadcast %add3A_124 : i32 to vector<16x2048xi32>
      %add3A_126 = arith.addi %add3A_115, %add3A_125 : vector<16x2048xi32>
      %add3A_127 = arith.constant 0 : i32
      %add3A_128 = vector.broadcast %add3A_127 : i32 to vector<16x2048xi32>
      %add3A_129 = arith.addi %xor3A_123, %add3A_128 : vector<16x2048xi32>
      %add3A_130 = arith.constant 2 : i32
      %add3A_131 = vector.broadcast %add3A_130 : i32 to vector<16x2048xi32>
      %add3A_132 = arith.addi %add3A_129, %add3A_131 : vector<16x2048xi32>
      %add3A_133 = arith.addi %add3A_126, %add3A_132 : vector<16x2048xi32>
      %shift_left3A_134 = arith.constant 13 : i32
      %shift_left3A_135 = vector.broadcast %shift_left3A_134 : i32 to vector<16x2048xi32>
      %shift_left3A_136 = arith.shli %add3A_132, %shift_left3A_135 : vector<16x2048xi32>
      %shift_right_logical3A_137 = arith.constant 19 : i32
      %shift_right_logical3A_138 = vector.broadcast %shift_right_logical3A_137 : i32 to vector<16x2048xi32>
      %shift_right_logical3A_139 = arith.shrui %add3A_132, %shift_right_logical3A_138 : vector<16x2048xi32>
      %or3A_140 = arith.ori %shift_left3A_136, %shift_right_logical3A_139 : vector<16x2048xi32>
      %xor3A_141 = arith.xori %add3A_133, %or3A_140 : vector<16x2048xi32>
      %add3A_142 = arith.addi %add3A_133, %xor3A_141 : vector<16x2048xi32>
      %shift_left3A_143 = arith.constant 15 : i32
      %shift_left3A_144 = vector.broadcast %shift_left3A_143 : i32 to vector<16x2048xi32>
      %shift_left3A_145 = arith.shli %xor3A_141, %shift_left3A_144 : vector<16x2048xi32>
      %shift_right_logical3A_146 = arith.constant 17 : i32
      %shift_right_logical3A_147 = vector.broadcast %shift_right_logical3A_146 : i32 to vector<16x2048xi32>
      %shift_right_logical3A_148 = arith.shrui %xor3A_141, %shift_right_logical3A_147 : vector<16x2048xi32>
      %or3A_149 = arith.ori %shift_left3A_145, %shift_right_logical3A_148 : vector<16x2048xi32>
      %xor3A_150 = arith.xori %add3A_142, %or3A_149 : vector<16x2048xi32>
      %add3A_151 = arith.addi %add3A_142, %xor3A_150 : vector<16x2048xi32>
      %shift_left3A_152 = arith.constant 26 : i32
      %shift_left3A_153 = vector.broadcast %shift_left3A_152 : i32 to vector<16x2048xi32>
      %shift_left3A_154 = arith.shli %xor3A_150, %shift_left3A_153 : vector<16x2048xi32>
      %shift_right_logical3A_155 = arith.constant 6 : i32
      %shift_right_logical3A_156 = vector.broadcast %shift_right_logical3A_155 : i32 to vector<16x2048xi32>
      %shift_right_logical3A_157 = arith.shrui %xor3A_150, %shift_right_logical3A_156 : vector<16x2048xi32>
      %or3A_158 = arith.ori %shift_left3A_154, %shift_right_logical3A_157 : vector<16x2048xi32>
      %xor3A_159 = arith.xori %add3A_151, %or3A_158 : vector<16x2048xi32>
      %add3A_160 = arith.addi %add3A_151, %xor3A_159 : vector<16x2048xi32>
      %shift_left3A_161 = arith.constant 6 : i32
      %shift_left3A_162 = vector.broadcast %shift_left3A_161 : i32 to vector<16x2048xi32>
      %shift_left3A_163 = arith.shli %xor3A_159, %shift_left3A_162 : vector<16x2048xi32>
      %shift_right_logical3A_164 = arith.constant 26 : i32
      %shift_right_logical3A_165 = vector.broadcast %shift_right_logical3A_164 : i32 to vector<16x2048xi32>
      %shift_right_logical3A_166 = arith.shrui %xor3A_159, %shift_right_logical3A_165 : vector<16x2048xi32>
      %or3A_167 = arith.ori %shift_left3A_163, %shift_right_logical3A_166 : vector<16x2048xi32>
      %xor3A_168 = arith.xori %add3A_160, %or3A_167 : vector<16x2048xi32>
      %add3A_169 = arith.constant 0 : i32
      %add3A_170 = vector.broadcast %add3A_169 : i32 to vector<16x2048xi32>
      %add3A_171 = arith.addi %add3A_160, %add3A_170 : vector<16x2048xi32>
      %add3A_172 = arith.constant 42 : i32
      %add3A_173 = vector.broadcast %add3A_172 : i32 to vector<16x2048xi32>
      %add3A_174 = arith.addi %xor3A_168, %add3A_173 : vector<16x2048xi32>
      %add3A_175 = arith.constant 3 : i32
      %add3A_176 = vector.broadcast %add3A_175 : i32 to vector<16x2048xi32>
      %add3A_177 = arith.addi %add3A_174, %add3A_176 : vector<16x2048xi32>
      %add3A_178 = arith.addi %add3A_171, %add3A_177 : vector<16x2048xi32>
      %shift_left3A_179 = arith.constant 17 : i32
      %shift_left3A_180 = vector.broadcast %shift_left3A_179 : i32 to vector<16x2048xi32>
      %shift_left3A_181 = arith.shli %add3A_177, %shift_left3A_180 : vector<16x2048xi32>
      %shift_right_logical3A_182 = arith.constant 15 : i32
      %shift_right_logical3A_183 = vector.broadcast %shift_right_logical3A_182 : i32 to vector<16x2048xi32>
      %shift_right_logical3A_184 = arith.shrui %add3A_177, %shift_right_logical3A_183 : vector<16x2048xi32>
      %or3A_185 = arith.ori %shift_left3A_181, %shift_right_logical3A_184 : vector<16x2048xi32>
      %xor3A_186 = arith.xori %add3A_178, %or3A_185 : vector<16x2048xi32>
      %add3A_187 = arith.addi %add3A_178, %xor3A_186 : vector<16x2048xi32>
      %shift_left3A_188 = arith.constant 29 : i32
      %shift_left3A_189 = vector.broadcast %shift_left3A_188 : i32 to vector<16x2048xi32>
      %shift_left3A_190 = arith.shli %xor3A_186, %shift_left3A_189 : vector<16x2048xi32>
      %shift_right_logical3A_191 = arith.constant 3 : i32
      %shift_right_logical3A_192 = vector.broadcast %shift_right_logical3A_191 : i32 to vector<16x2048xi32>
      %shift_right_logical3A_193 = arith.shrui %xor3A_186, %shift_right_logical3A_192 : vector<16x2048xi32>
      %or3A_194 = arith.ori %shift_left3A_190, %shift_right_logical3A_193 : vector<16x2048xi32>
      %xor3A_195 = arith.xori %add3A_187, %or3A_194 : vector<16x2048xi32>
      %add3A_196 = arith.addi %add3A_187, %xor3A_195 : vector<16x2048xi32>
      %shift_left3A_197 = arith.constant 16 : i32
      %shift_left3A_198 = vector.broadcast %shift_left3A_197 : i32 to vector<16x2048xi32>
      %shift_left3A_199 = arith.shli %xor3A_195, %shift_left3A_198 : vector<16x2048xi32>
      %shift_right_logical3A_200 = arith.constant 16 : i32
      %shift_right_logical3A_201 = vector.broadcast %shift_right_logical3A_200 : i32 to vector<16x2048xi32>
      %shift_right_logical3A_202 = arith.shrui %xor3A_195, %shift_right_logical3A_201 : vector<16x2048xi32>
      %or3A_203 = arith.ori %shift_left3A_199, %shift_right_logical3A_202 : vector<16x2048xi32>
      %xor3A_204 = arith.xori %add3A_196, %or3A_203 : vector<16x2048xi32>
      %add3A_205 = arith.addi %add3A_196, %xor3A_204 : vector<16x2048xi32>
      %shift_left3A_206 = arith.constant 24 : i32
      %shift_left3A_207 = vector.broadcast %shift_left3A_206 : i32 to vector<16x2048xi32>
      %shift_left3A_208 = arith.shli %xor3A_204, %shift_left3A_207 : vector<16x2048xi32>
      %shift_right_logical3A_209 = arith.constant 8 : i32
      %shift_right_logical3A_210 = vector.broadcast %shift_right_logical3A_209 : i32 to vector<16x2048xi32>
      %shift_right_logical3A_211 = arith.shrui %xor3A_204, %shift_right_logical3A_210 : vector<16x2048xi32>
      %or3A_212 = arith.ori %shift_left3A_208, %shift_right_logical3A_211 : vector<16x2048xi32>
      %xor3A_213 = arith.xori %add3A_205, %or3A_212 : vector<16x2048xi32>
      %add3A_214 = arith.constant 42 : i32
      %add3A_215 = vector.broadcast %add3A_214 : i32 to vector<16x2048xi32>
      %add3A_216 = arith.addi %add3A_205, %add3A_215 : vector<16x2048xi32>
      %add3A_217 = arith.constant 466689008 : i32
      %add3A_218 = vector.broadcast %add3A_217 : i32 to vector<16x2048xi32>
      %add3A_219 = arith.addi %xor3A_213, %add3A_218 : vector<16x2048xi32>
      %add3A_220 = arith.constant 4 : i32
      %add3A_221 = vector.broadcast %add3A_220 : i32 to vector<16x2048xi32>
      %add3A_222 = arith.addi %add3A_219, %add3A_221 : vector<16x2048xi32>
      %add3A_223 = arith.addi %add3A_216, %add3A_222 : vector<16x2048xi32>
      %shift_left3A_224 = arith.constant 13 : i32
      %shift_left3A_225 = vector.broadcast %shift_left3A_224 : i32 to vector<16x2048xi32>
      %shift_left3A_226 = arith.shli %add3A_222, %shift_left3A_225 : vector<16x2048xi32>
      %shift_right_logical3A_227 = arith.constant 19 : i32
      %shift_right_logical3A_228 = vector.broadcast %shift_right_logical3A_227 : i32 to vector<16x2048xi32>
      %shift_right_logical3A_229 = arith.shrui %add3A_222, %shift_right_logical3A_228 : vector<16x2048xi32>
      %or3A_230 = arith.ori %shift_left3A_226, %shift_right_logical3A_229 : vector<16x2048xi32>
      %xor3A_231 = arith.xori %add3A_223, %or3A_230 : vector<16x2048xi32>
      %add3A_232 = arith.addi %add3A_223, %xor3A_231 : vector<16x2048xi32>
      %shift_left3A_233 = arith.constant 15 : i32
      %shift_left3A_234 = vector.broadcast %shift_left3A_233 : i32 to vector<16x2048xi32>
      %shift_left3A_235 = arith.shli %xor3A_231, %shift_left3A_234 : vector<16x2048xi32>
      %shift_right_logical3A_236 = arith.constant 17 : i32
      %shift_right_logical3A_237 = vector.broadcast %shift_right_logical3A_236 : i32 to vector<16x2048xi32>
      %shift_right_logical3A_238 = arith.shrui %xor3A_231, %shift_right_logical3A_237 : vector<16x2048xi32>
      %or3A_239 = arith.ori %shift_left3A_235, %shift_right_logical3A_238 : vector<16x2048xi32>
      %xor3A_240 = arith.xori %add3A_232, %or3A_239 : vector<16x2048xi32>
      %add3A_241 = arith.addi %add3A_232, %xor3A_240 : vector<16x2048xi32>
      %shift_left3A_242 = arith.constant 26 : i32
      %shift_left3A_243 = vector.broadcast %shift_left3A_242 : i32 to vector<16x2048xi32>
      %shift_left3A_244 = arith.shli %xor3A_240, %shift_left3A_243 : vector<16x2048xi32>
      %shift_right_logical3A_245 = arith.constant 6 : i32
      %shift_right_logical3A_246 = vector.broadcast %shift_right_logical3A_245 : i32 to vector<16x2048xi32>
      %shift_right_logical3A_247 = arith.shrui %xor3A_240, %shift_right_logical3A_246 : vector<16x2048xi32>
      %or3A_248 = arith.ori %shift_left3A_244, %shift_right_logical3A_247 : vector<16x2048xi32>
      %xor3A_249 = arith.xori %add3A_241, %or3A_248 : vector<16x2048xi32>
      %add3A_250 = arith.addi %add3A_241, %xor3A_249 : vector<16x2048xi32>
      %shift_left3A_251 = arith.constant 6 : i32
      %shift_left3A_252 = vector.broadcast %shift_left3A_251 : i32 to vector<16x2048xi32>
      %shift_left3A_253 = arith.shli %xor3A_249, %shift_left3A_252 : vector<16x2048xi32>
      %shift_right_logical3A_254 = arith.constant 26 : i32
      %shift_right_logical3A_255 = vector.broadcast %shift_right_logical3A_254 : i32 to vector<16x2048xi32>
      %shift_right_logical3A_256 = arith.shrui %xor3A_249, %shift_right_logical3A_255 : vector<16x2048xi32>
      %or3A_257 = arith.ori %shift_left3A_253, %shift_right_logical3A_256 : vector<16x2048xi32>
      %xor3A_258 = arith.xori %add3A_250, %or3A_257 : vector<16x2048xi32>
      %add3A_259 = arith.constant 466689008 : i32
      %add3A_260 = vector.broadcast %add3A_259 : i32 to vector<16x2048xi32>
      %add3A_261 = arith.addi %add3A_250, %add3A_260 : vector<16x2048xi32>
      %add3A_262 = arith.constant 0 : i32
      %add3A_263 = vector.broadcast %add3A_262 : i32 to vector<16x2048xi32>
      %add3A_264 = arith.addi %xor3A_258, %add3A_263 : vector<16x2048xi32>
      %add3A_265 = arith.constant 5 : i32
      %add3A_266 = vector.broadcast %add3A_265 : i32 to vector<16x2048xi32>
      %add3A_267 = arith.addi %add3A_264, %add3A_266 : vector<16x2048xi32>
      %xor3A_268 = arith.xori %add3A_261, %add3A_267 : vector<16x2048xi32>
      %shift_right_logical3A_269 = arith.constant 9 : i32
      %shift_right_logical3A_270 = vector.broadcast %shift_right_logical3A_269 : i32 to vector<16x2048xi32>
      %shift_right_logical3A_271 = arith.shrui %xor3A_268, %shift_right_logical3A_270 : vector<16x2048xi32>
      %or3A_272 = arith.constant 1065353216 : i32
      %or3A_273 = vector.broadcast %or3A_272 : i32 to vector<16x2048xi32>
      %or3A_274 = arith.ori %shift_right_logical3A_271, %or3A_273 : vector<16x2048xi32>
      %bitcast_convert_type3A = tpu.bitcast %or3A_274 : vector<16x2048xi32> -> vector<16x2048xf32>
      %sub3A = arith.constant 1.000000e+00 : f32
      %sub3A_275 = vector.broadcast %sub3A : f32 to vector<16x2048xf32>
      %sub3A_276 = arith.subf %bitcast_convert_type3A, %sub3A_275 : vector<16x2048xf32>
      %max3A = arith.constant 1.17549435E-38 : f32
      %max3A_277 = vector.broadcast %max3A : f32 to vector<16x2048xf32>
      %max3A_278 = arith.maximumf %sub3A_276, %max3A_277 : vector<16x2048xf32>
      %log3A = math.log %max3A_278 : vector<16x2048xf32>
      %neg3A = arith.constant 0.000000e+00 : f32
      %neg3A_279 = vector.broadcast %neg3A : f32 to vector<16x2048xf32>
      %neg3A_280 = arith.subf %neg3A_279, %log3A : vector<16x2048xf32>
      %log3A_281 = math.log %neg3A_280 : vector<16x2048xf32>
      %neg3A_282 = arith.constant 0.000000e+00 : f32
      %neg3A_283 = vector.broadcast %neg3A_282 : f32 to vector<16x2048xf32>
      %neg3A_284 = arith.subf %neg3A_283, %log3A_281 : vector<16x2048xf32>
      %ge3A = vector.broadcast %add3A_4 : vector<16x1xf32> to vector<16x2048xf32>
      %ge3A_285 = arith.cmpf oge, %get3A_33, %ge3A : vector<16x2048xf32>
      %add3A_286 = arith.addf %get3A_33, %neg3A_284 : vector<16x2048xf32>
      %jit3A_287 = arith.constant 0xFF800000 : f32
      %broadcast_in_dim3A_288 = vector.broadcast %jit3A_287 : f32 to vector<16x2048xf32>
      %select_n3A_289 = arith.select %ge3A_285, %add3A_286, %broadcast_in_dim3A_288 : vector<16x2048xi1>, vector<16x2048xf32>
      %swap3A_290 = arith.constant 0 : index
      %swap3A_291 = arith.index_cast %multiple_of3A : i32 to index
      %swap3A_292 = vector.load %arg3[%swap3A_290, %swap3A_291] : memref<16x100352xf32, #tpu.memory_space<vmem>>, vector<16x2048xf32>
      tpu.vector_store %arg3[%swap3A_290, %swap3A_291], %select_n3A_289 {strides = array<i32>} : memref<16x100352xf32, #tpu.memory_space<vmem>>, vector<16x2048xf32>,
    }
    %scan3A_12 = arith.constant 49 : i32
    %get3A_13 = arith.constant 0 : index
    %get3A_14 = arith.constant 0 : index
    %get3A_15 = vector.load %arg3[%get3A_13, %get3A_14] : memref<16x100352xf32, #tpu.memory_space<vmem>>, vector<16x100352xf32>
    %reduce_max3A_16 = arith.constant dense<0xFF800000> : vector<16xf32>
    %reduce_max3A_17 = vector.multi_reduction <maximumf>, %get3A_15, %reduce_max3A_16 [1] : vector<16x100352xf32> to vector<16xf32>
    %broadcast_in_dim3A_18 = vector.shape_cast %reduce_max3A_17 : vector<16xf32> to vector<16x1xf32>
    %iota3A_19 = tpu.iota {dimensions = array<i32: 1>} : vector<16x100352xi32>
    %eq3A = vector.broadcast %broadcast_in_dim3A_18 : vector<16x1xf32> to vector<16x100352xf32>
    %eq3A_20 = arith.cmpf oeq, %get3A_15, %eq3A : vector<16x100352xf32>
    %jit3A = arith.constant 100352 : i32
    %broadcast_in_dim3A_21 = vector.broadcast %jit3A : i32 to vector<16x100352xi32>
    %select_n3A = arith.select %eq3A_20, %iota3A_19, %broadcast_in_dim3A_21 : vector<16x100352xi1>, vector<16x100352xi32>
    %reduce_min3A = arith.constant dense<2147483647> : vector<16xi32>
    %reduce_min3A_22 = vector.multi_reduction <minsi>, %select_n3A, %reduce_min3A [1] : vector<16x100352xi32> to vector<16xi32>
    %broadcast_in_dim3A_23 = vector.shape_cast %reduce_min3A_22 : vector<16xi32> to vector<16x1xi32>
    %broadcast_in_dim3A_24 = vector.shape_cast %broadcast_in_dim3A_23 : vector<16x1xi32> to vector<16x1xi32>
    %broadcast_in_dim3A_25 = vector.broadcast %broadcast_in_dim3A_24 : vector<16x1xi32> to vector<16x128xi32>
    %swap3A = arith.constant 0 : index
    %swap3A_26 = arith.constant 0 : index
    %swap3A_27 = vector.load %arg2[%swap3A, %swap3A_26] : memref<16x128xi32, #tpu.memory_space<vmem>>, vector<16x128xi32>
    tpu.vector_store %arg2[%swap3A, %swap3A_26], %broadcast_in_dim3A_25 {strides = array<i32>} : memref<16x128xi32, #tpu.memory_space<vmem>>, vector<16x128xi32>,
    return
  }
  func.func @transform_0(%arg0: i32) -> (i32, i32) {
    %c0_i32 = arith.constant 0 : i32
    %c0_i32_0 = arith.constant 0 : i32
    return %arg0, %c0_i32 : i32, i32
  }
  func.func @transform_1(%arg0: i32) -> (i32, i32) {
    %c0_i32 = arith.constant 0 : i32
    %c0_i32_0 = arith.constant 0 : i32
    return %arg0, %c0_i32 : i32, i32
  }
}

</mosaic_0001>

<sc_bundles>
// kernel: kernel.4.cloned.1.call-start
scs
__scs_entry_jumppad:
0x0: {  	(pc) =	sbr.rel $0x88, $3  }
0x1: {  	(tag) =	ssettag $0x0;
	lr =	simm.s32 $0x1  }
0x2: {  	[smem:$0x3FA0] =	sst lr;
	_ =	strace $0xD0000000  }
0x3: {  	_ = 	snop  }
0x4: {  	_ = 	snop  }
0x5: {  	_ = 	snop  }
0x6: {  	_ = 	snop  }
0x7: {  	_ = 	snop  }
__scs_overlays_trampoline_lowered:
0x8: {  	[smem:$0x3FAF] =	sst s0  }
0x9: {  	[smem:$0x3FB0] =	sst s1  }
0xa: {  	[smem:$0x3FB1] =	sst s2  }
0xb: {  	[smem:$0x3FB2] =	sst s3  }
0xc: {  	[smem:$0x3FB3] =	sst s4  }
0xd: {  	[smem:$0x3FB4] =	sst s5  }
0xe: {  	[smem:$0x3FB5] =	sst s6  }
0xf: {  	[smem:$0x3FB6] =	sst s7  }
0x10: {  	[smem:$0x3FB7] =	sst s8  }
0x11: {  	[smem:$0x3FB8] =	sst s9;
	s0 =	simm.s32 @!p0 $0x0  }
0x12: {  	s1 =	sld [smem:$0x3F9E];
	s0 =	simm.s32 @p0 $0x1  }
0x13: {  	[smem:$0x3FB9] =	sst s0;
	s0 =	simm.s32 @!p1 $0x0  }
0x14: {  	s2 =	sld [smem:$0x3F9D];
	s0 =	simm.s32 @p1 $0x1  }
0x15: {  	[smem:$0x3FBA] =	sst s0;
	s0 =	simm.s32 @!p2 $0x0  }
0x16: {  	s3 =	sld [smem:$0x3FDB];
	s0 =	simm.s32 @p2 $0x1  }
0x17: {  	s4 =	simm.s32 $0x1BF5;
	[smem:$0x3FBC] =	sst s0  }
0x18: {  	s0 =	sld [smem:$0x3F9F];
	_ =	swait.ge [sflag:s4], $0x0  }
0x19: {  	s7 =	sld [smem:$0x3FA0]  }
0x1a: {  	s8 =	sadd.s32 $0xFFFFE003, lr  }
0x1b: {  	s9 =	sadd.s32 $0xFFFFFEF7, lr;
	s5 =	simm.s32 $0xFFFFFFFF;
	p2 =	slt.u32 s8, $0xFFFFF086  }
0x1c: {  	p1 =	slt.u32 s9, $0xF7A;
	s5 =	simm.s32 @!p2 $0x0  }
0x1d: {  	s5 =	simm.s32 @p1 $0x1;
	p0 =	seq.s32 s7, s2  }
0x1e: {  	s7 =	smul.u32 @!p0 $0xF7A, s2;
	p2 =	seq.s32 @!p0 s5, $0x0  }
0x1f: {  	s9 =	smul.u32 $0xF7A, s1;
	s8 =	simm.s32 @!p0 $0x1BF5;
	p2 =	por !p2, p0  }
0x20: {  	[sflag:s8] =	ssyncset.s32 @!p0 $0xFFFFF086;
	s6 =	sadd.s32 @!p0 s3, s7;
	s7 =	simm.s32 @!p0 $0x108  }
0x21: {  	s3 =	sadd.s32 s3, s9;
	s6 =	sadd.s32 @!p0 $0x88, s6;
	s7 =	simm.s32 @p2 $0x1082  }
0x22: {  	[simem:s7], [sflag:s8] =	dma.local @!p0 [hbm:s6], $0xF7A  }
0x23: {  	s9 =	sor.u32 $0xD0000000, s2;
	s6 =	simm.s32 $0x108;
	_ =	swait.ge @!p0 [sflag:s8], $0x0  }
0x24: {  	s3 =	sadd.s32 $0x88, s3;
	s6 =	simm.s32 @!p1 $0x1082;
	[sflag:s4] =	ssyncset.s32 $0xFFFFF086  }
0x25: {  	[simem:s6], [sflag:s4] =	dma.local [hbm:s3], $0xF7A  }
0x26: {  	[smem:$0x3FA0] =	sst s1;
	(tag) =	ssettag s2;
	_ =	strace s9  }
0x27: {  	s1 =	sld [smem:$0x3FB0]  }
0x28: {  	s2 =	sld [smem:$0x3FB1]  }
0x29: {  	s4 =	sld [smem:$0x3FB3]  }
0x2a: {  	p0 =	seq.s32 s5, $0x0;
	s5 =	sld [smem:$0x3FB4]  }
0x2b: {  	s6 =	sld [smem:$0x3FB5]  }
0x2c: {  	s7 =	sld [smem:$0x3FB6]  }
0x2d: {  	s3 =	simm.s32 $0x108;
	s8 =	sld [smem:$0x3FB7]  }
0x2e: {  	s3 =	simm.s32 @!p0 $0x1082;
	s9 =	sld [smem:$0x3FB8]  }
0x2f: {  	lr =	sadd.s32 s0, s3;
	s0 =	sld [smem:$0x3FAF]  }
0x30: {  	s3 =	sld [smem:$0x3FB2]  }
0x31: {  	[smem:$0x3FBB] =	sst s10  }
0x32: {  	s10 =	sld [smem:$0x3FB9];
	_ =	sdelay $0x3  }
0x33: {  	p0 =	seq.s32 s10, $0x1;
	s10 =	sld [smem:$0x3FBB];
	_ =	sdelay $0x3  }
0x34: {  	[smem:$0x3FBB] =	sst s10  }
0x35: {  	s10 =	sld [smem:$0x3FBA];
	_ =	sdelay $0x3  }
0x36: {  	p1 =	seq.s32 s10, $0x1;
	s10 =	sld [smem:$0x3FBB];
	_ =	sdelay $0x3  }
0x37: {  	[smem:$0x3FBB] =	sst s10  }
0x38: {  	s10 =	sld [smem:$0x3FBC]  }
0x39: {  	_ = 	snop;
	(pc) =	sbr.ind lr, $3  }
0x3a: {  	_ = 	snop  }
0x3b: {  	_ = 	snop  }
0x3c: {  	p2 =	seq.s32 s10, $0x1;
	s10 =	sld [smem:$0x3FBB]  }
0x3d: {  	_ =	shalt  }
0x3e: {  	_ =	shalt  }
0x3f: {  	_ =	shalt  }
0x40: {  	_ =	shalt  }
0x41: {  	_ =	shalt  }
0x42: {  	_ =	shalt  }
0x43: {  	_ =	shalt  }
0x44: {  	_ =	shalt  }
0x45: {  	_ =	shalt  }
0x46: {  	_ =	shalt  }
0x47: {  	_ =	shalt  }
0x48: {  	_ =	shalt  }
0x49: {  	_ =	shalt  }
0x4a: {  	_ =	shalt  }
0x4b: {  	_ =	shalt  }
0x4c: {  	_ =	shalt  }
0x4d: {  	_ =	shalt  }
0x4e: {  	_ =	shalt  }
0x4f: {  	_ =	shalt  }
0x50: {  	_ =	shalt  }
0x51: {  	_ =	shalt  }
0x52: {  	_ =	shalt  }
0x53: {  	_ =	shalt  }
0x54: {  	_ =	shalt  }
0x55: {  	_ =	shalt  }
0x56: {  	_ =	shalt  }
0x57: {  	_ =	shalt  }
0x58: {  	_ =	shalt  }
0x59: {  	_ =	shalt  }
0x5a: {  	_ =	shalt  }
0x5b: {  	_ =	shalt  }
0x5c: {  	_ =	shalt  }
0x5d: {  	_ =	shalt  }
0x5e: {  	_ =	shalt  }
0x5f: {  	_ =	shalt  }
0x60: {  	_ =	shalt  }
0x61: {  	_ =	shalt  }
0x62: {  	_ =	shalt  }
0x63: {  	_ =	shalt  }
0x64: {  	_ =	shalt  }
0x65: {  	_ =	shalt  }
0x66: {  	_ =	shalt  }
0x67: {  	_ =	shalt  }
0x68: {  	_ =	shalt  }
0x69: {  	_ =	shalt  }
0x6a: {  	_ =	shalt  }
0x6b: {  	_ =	shalt  }
0x6c: {  	_ =	shalt  }
0x6d: {  	_ =	shalt  }
0x6e: {  	_ =	shalt  }
0x6f: {  	_ =	shalt  }
0x70: {  	_ =	shalt  }
0x71: {  	_ =	shalt  }
0x72: {  	_ =	shalt  }
0x73: {  	_ =	shalt  }
0x74: {  	_ =	shalt  }
0x75: {  	_ =	shalt  }
0x76: {  	_ =	shalt  }
0x77: {  	_ =	shalt  }
0x78: {  	_ =	shalt  }
0x79: {  	_ =	shalt  }
0x7a: {  	_ =	shalt  }
0x7b: {  	_ =	shalt  }
0x7c: {  	_ =	shalt  }
0x7d: {  	_ =	shalt  }
0x7e: {  	_ =	shalt  }
0x7f: {  	_ =	shalt  }
0x80: {  	_ =	shalt  }
0x81: {  	_ =	shalt  }
0x82: {  	_ =	shalt  }
0x83: {  	_ =	shalt  }
0x84: {  	_ =	shalt  }
0x85: {  	_ =	shalt  }
0x86: {  	_ =	shalt  }
0x87: {  	_ =	shalt  }
.Lfunc_end0:
.L_simem_size_0:
called_computation_lowered:
.L_overlay_start_0:
0x88: {  	s2 =	sld [smem:$0x3FD9]  }
0x89: {  	s3 =	sld [smem:$0x3FFE];
	_ =	sdelay $0x1  }
0x8a: {  	s1 =	srdreg.scid  }
0x8b: {  	s0 =	sand.u32 $0x1, s1  }
0x8c: {  	s16 =	sshll.u32 s0, $0xA;
	s2 =	sadd.s32 s3, s2  }
0x8d: {  	s2 =	sadd.s32 s2, s16  }
0x8e: {  	[smem:$0x3FC7] =	sst s2  }
0x8f: {  	_ = 	snop  }
0x90: {  	(tm) =	ssettm $0x1  }
0x91: {  	s17 =	sld [smem:$0x3FFB];
	_ =	sdelay $0x3  }
0x92: {  	_ =	strace s17  }
0x93: {  	s2 =	sld [smem:$0x3FFC];
	_ =	sdelay $0x3  }
0x94: {  	_ =	strace s2  }
0x95: {  	s2 =	sld [smem:$0x3FFD];
	_ =	sdelay $0x3  }
0x96: {  	_ =	strace s2  }
0x97: {  	_ =	strace $0x8FFFFFFF  }
0x98: {  	s18 =	sld [smem:$0x3FDB];
	_ =	sdelay $0x1  }
0x99: {  	s19 =	simm.s32 $_scs_section_size  }
0x9a: {  	s4 =	simm.s32 $_size__tile_overlayer_lowered;
	s5 =	simm.s32 $_tile_overlayer_lowered  }
0x9b: {  	s22 =	simm.s32 $0x1BFF;
	s21 =	sshll.u32 s5, $0x1;
	s2 =	sadd.s32 s19, s18  }
0x9c: {  	s6 =	simm.s32 $0x0;
	s20 =	sshll.u32 s4, $0x1;
	s4 =	sadd.s32 s21, s2  }
0x9d: {  	[timem:s6], [sflag:s22] =	dma.local [hbm:s4], s20  }
0x9e: {  	_ =	swait.ge [sflag:s22], s20  }
0x9f: {  	s3 =	ssub.s32 $0x0, s20;
	[sflag:s22] =	ssyncset.done $0x0  }
0xa0: {  	[sflag:s22] =	ssyncadd.s32 s3;
	_ =	sdelay $0x1  }
0xa1: {  	s23 =	simm.s32 $0x1B8B  }
0xa2: {  	_ =	swait.ge [sflag:s23], $0x1  }
0xa3: {  	[sflag:s23] =	ssyncset.done $0x0  }
0xa4: {  	s25 =	simm.s32 $0x1B8E;
	s24 =	sld [smem:$0x3FFE];
	[sflag:s23] =	ssyncadd.s32 $0xFFFFFFFF  }
0xa5: {  	s26 =	simm.s32 $execute0_lowered;
	[smem:$0x3FD2] =	sst s25  }
0xa6: {  	s4 =	sshll.u32 s26, $0x1;
	_ =	strace $0x80000046;
	[dreg:$0x1] =	wrdreg $0xFFFFFFFF  }
0xa7: {  	s28 =	simm.s32 $_size_execute0_lowered;
	s2 =	sadd.s32 s2, s4;
	[dreg:$0x0] =	wrdreg $0x0  }
0xa8: {  	s4 =	sshll.u32 s28, $0x1;
	[dreg:$0x2] =	wrdreg s2  }
0xa9: {  	[dreg:$0x3] =	wrdreg s4  }
0xaa: {  	[dreg:$0x4] =	wrdreg $0xC0  }
0xab: {  	_ =	task [dreg:s6], $0x5FFFF  }
0xac: {  	[dreg:$0x1] =	wrdreg $0xFFFFFFFF  }
0xad: {  	[dreg:$0x0] =	wrdreg $0x60  }
0xae: {  	[dreg:$0x2] =	wrdreg s24  }
0xaf: {  	[dreg:$0x3] =	wrdreg $0x9  }
0xb0: {  	_ =	task.clear_ibuf [dreg:s6], $0x4FFFF;
	_ =	strace $0x90000046  }
0xb1: {  	s29 =	simm.s32 $0x9;
	_ =	strace $0x80000048  }
0xb2: {  	_ =	swait.ge [sflag:s29], $0x1  }
0xb3: {  	[sflag:s29] =	ssyncadd.s32 $0xFFFFFFFF  }
0xb4: {  	_ =	strace $0x90000048  }
0xb5: {  	_ =	sfence  }
0xb6: {  	s30 =	sld [smem:$0x0];
	_ =	sdelay $0x2  }
0xb7: {  	s31 =	sshll.u32 s1, $0xD;
	s1 =	sshrl.u32 s1, $0x2  }
0xb8: {  	s3 =	sand.u32 $0x4000, s31;
	s1 =	sadd.s32 s1, s30  }
0xb9: {  	s0 =	sor.u32 s3, s0;
	s1 =	sshll.u32 s1, $0x11  }
0xba: {  	s0 =	sor.u32 s1, s0  }
0xbb: {  	s0 =	sadd.s32 $0x8F2B, s0  }
0xbc: {  	[sflag:s0] =	ssyncadd.remote.s32 $0x1  }
0xbd: {  	_ =	sfence.sel $0xFFFF  }
0xbe: {  	[dreg:$0x0] =	wrdreg $0xFFFFFFFF;
	(pc) =	sbr.abs _section_cstart, $3  }
0xbf: {  	[dreg:$0x1] =	wrdreg $0xFFFFFFFF  }
0xc0: {  	_ =	task.clear_ibuf [dreg:s6], $0x2FFFF;
	_ =	strace $0x9FFFFFFF  }
0xc1: {  	(tm) =	ssettm $0x7FFFFFFF  }
tec
execute0_lowered:
.L_overlay_start_1:
0x0: {  	(tag) =	ssettag $0x1  }
0x1: {  	s0 =	rddreg [dreg:$0x0];
	s1 =	srdreg.scid  }
0x2: {  	s12 =	stileid.u32;
	s2 =	simm.s32 $0x0;
	s14 =	simm.s32 $0x400  }
0x3: {  	s15 =	simm.s32 $0x2;
	s17 =	simm.s32 $0x1;
	s18 =	simm.s32 $0x80  }
0x4: {  	s19 =	simm.s32 $0x4180;
	s20 =	simm.s32 $0x4200;
	s21 =	simm.s32 $0x8200  }
0x5: {  	s22 =	simm.s32 $0x8680;
	s23 =	simm.s32 $0x8B00;
	s1 =	sand.u32 $0x1, s1  }
0x6: {  	s4 =	smul.u32 $0x6400, s12;
	[smem:$0x7FF] =	sst s2;
	s3 =	sshll.u32 s12, $0xA  }
0x7: {  	s7 =	sadd.s32 $0x16000, s0;
	s11 =	sshll.u32 s12, $0x3;
	s5 =	sshll.u32 s1, $0x9  }
0x8: {  	_ =	strace $0x80000047;
	s29 =	ssub.s32 $0x2, s1;
	s1 =	sshll.u32 s1, $0x2  }
0x9: {  	s6 =	sor.u32 s5, s4;
	s5 =	sor.u32 s5, s3;
	s4 =	sadd.s32 $0x310000, s0  }
0xa: {  	s8 =	sshrl.u32 s29, $0x1;
	s6 =	sshrl.u32 s6, $0x3;
	s5 =	sshrl.u32 s5, $0x3  }
.Ltmp0:
0xb: {  	s9 =	sadd.s32 s6, s0;
	s10 =	sadd.s32 s5, s0;
	(pc) =	sbr.rel .LBB2_1-.Ltmp0, $4  }
0xc: {  	s5 =	sadd.s32 $0xE000, s0;
	s6 =	sadd.s32 $0x12000, s0;
	s30 =	sadd.s32 $0x1000, s9  }
0xd: {  	s0 =	ssub.s32 s29, s8;
	s31 =	sadd.s32 $0xD800, s10;
	[dreg:$0x2] =	wrdreg s30  }
0xe: {  	s8 =	sor.u32 s1, s11;
	s0 =	smax.u32 s0, $0x1;
	[dreg:$0x3] =	wrdreg s31  }
0xf: {  	v0 =	vlaneseq.u32;
	v1 =	vimm.s32 $0x0;
	s11 =	sshll.u32 s12, $0xD;
	s1 =	simm.s32 $0x0;
	[dreg:$0x4] =	wrdreg s0  }
.LBB2_16:
0x10: {  	s1 =	rddreg [dreg:$0x5]  }
0x11: {  	s0 =	rddreg [dreg:$0x4];
	s1 =	sadd.s32 $0x1, s1  }
0x12: {  	p0 =	sne.s32 s1, s0  }
.Ltmp1:
0x13: {  	_ = 	snop;
	(pc) =	sbr.rel @!p0 .LBB2_17-.Ltmp1, $1  }
0x14: {  	_ =	sdelay $0x3  }
.LBB2_1:
0x15: {  	[dreg:$0x5] =	wrdreg s1  }
0x16: {  	s0 =	rddreg [dreg:$0x2];
	s29 =	simm.s32 $0x200  }
0x17: {  	[tilespmem:s2], [sflag:$0x2] =	stream.strided.gather [hbm4b:s0+s29], $0x3200, s14, s29, $0x38;
	[tilespmem:$0x8B80] =	vst v63  }
0x18: {  	_ =	swait.ge [sflag:s15], $0x3200  }
0x19: {  	s31 =	simm.s32 $0x3200;
	[sflag:s15] =	ssyncset.done $0x0  }
.Ltmp2:
0x1a: {  	s30 =	rddreg [dreg:$0x3];
	[sflag:s15] =	ssyncadd.s32 $0xFFFFCE00;
	(pc) =	sbr.rel .LBB2_2-.Ltmp2, $4  }
0x1b: {  	[tilespmem:s31], [sflag:$0x2] =	stream.linear.gather [hbm4b:s30+s2], $0x200, $0x38;
	[tilespmem:$0x8B80] =	vst v63  }
0x1c: {  	_ =	swait.ge [sflag:s15], $0x200  }
0x1d: {  	[sflag:s15] =	ssyncset.done $0x0  }
0x1e: {  	s25 =	simm.s32 $0x0;
	[sflag:s15] =	ssyncadd.s32 $0xFFFFFE00  }
.LBB2_5:
0x1f: {  	s30 =	simm.s32 $0x0  }
.LBB2_15:
0x20: {  	s0 =	sshll.u32 s28, $0x7  }
0x21: {  	s0 =	sand.u32 $0x380, s0  }
0x22: {  	s1 =	sor.u32 s11, s0  }
0x23: {  	s1 =	sshrl.u32 s1, $0x3  }
0x24: {  	s9 =	sadd.s32 s5, s1  }
0x25: {  	[hbm4b:s9+s18] =	stream.strided.scatter [tilespmem:s21], [sflag:$0x2], $0x400, s14, s18, $0x38;
	[tilespmem:$0x8B80] =	vst v63  }
0x26: {  	_ =	swait.ge [sflag:s15], $0x400  }
0x27: {  	[sflag:s15] =	ssyncset.done $0x0  }
0x28: {  	s1 =	sadd.s32 s6, s1;
	[sflag:s15] =	ssyncadd.s32 $0xFFFFFC00  }
0x29: {  	[hbm4b:s1+s18] =	stream.strided.scatter [tilespmem:s22], [sflag:$0x2], $0x400, s14, s18, $0x38;
	[tilespmem:$0x8B80] =	vst v63  }
0x2a: {  	_ =	swait.ge [sflag:s15], $0x400  }
0x2b: {  	s25 =	sadd.s32 $0x1, s25;
	s0 =	sor.u32 s3, s0;
	[sflag:s15] =	ssyncset.done $0x0  }
0x2c: {  	v2 =	vmov s30;
	p0 =	sne.s32 s25, $0x4;
	s0 =	sshrl.u32 s0, $0x3;
	[sflag:s15] =	ssyncadd.s32 $0xFFFFFC00  }
.Ltmp3:
0x2d: {  	s0 =	sadd.s32 s7, s0;
	[tilespmem:$0x8B00] =	vst v2;
	(pc) =	sbr.rel @!p0 .LBB2_16-.Ltmp3, $4  }
0x2e: {  	[hbm4b:s0+s2] =	stream.linear.scatter [tilespmem:s23], [sflag:$0x2], $0x80, $0x38;
	[tilespmem:$0x8B80] =	vst v63  }
0x2f: {  	_ =	swait.ge [sflag:s15], $0x80  }
0x30: {  	[sflag:s15] =	ssyncset.done $0x0  }
0x31: {  	[sflag:s15] =	ssyncadd.s32 $0xFFFFFF80  }
.LBB2_2:
0x32: {  	s0 =	sshll.u32 s25, $0x7  }
0x33: {  	s1 =	sand.u32 $0x3FFFFF80, s0;
	s0 =	simm.s32 $0x0  }
0x34: {  	s9 =	sand.u32 $0x3E00, s0  }
0x35: {  	s10 =	sand.u32 $0x70, s0;
	s9 =	sadd.s32 s9, s1  }
0x36: {  	v2 =	vld [tilespmem:s1+$0x3200];
	s9 =	sadd.s32 s10, s9  }
0x37: {  	v3 =	vld [tilespmem:s9+$0x0];
	_ =	sdelay $0x4  }
0x38: {  	vm0 =	vge.f32 v3, v2  }
0x39: {  	v3 =	vmpcnt.ones.xlane vm0;
	_ =	sdelay $0x1  }
0x3a: {  	(v2sf) =	vpush v3, $0x0;
	_ =	sdelay $0x3  }
0x3b: {  	v4 =	vor.u32 s0, v0;
	s10 =	simm.s32 $0x40  }
0x3c: {  	s12 =	simm.s32 $0x20;
	s9 =	simm.s32 $0x10;
	s13 =	sand.u32 $0x3E00, s10;
	[tilespmem:s0+$0x3400] =	vst.msk vm0, v4  }
.LBB2_3:
0x3d: {  	p0 =	seq.s32 s12, $0xC30;
	s16 =	sand.u32 $0x70, s9;
	s13 =	sadd.s32 s13, s1  }
0x3e: {  	s13 =	sadd.s32 s16, s13  }
0x3f: {  	v3 =	vld [tilespmem:s13+$0x0];
	_ =	sdelay $0x4  }
0x40: {  	vm0 =	vge.f32 v3, v2  }
0x41: {  	v3 =	vmpcnt.ones.xlane vm0  }
0x42: {  	s13 =	spop (v2sf)  }
0x43: {  	v4 =	vor.u32 s9, v0;
	s9 =	smov.u32 s12;
	(v2sf) =	vpush v3, $0x0;
	s0 =	sadd.s32 s0, s13  }
.Ltmp4:
0x44: {  	[tilespmem:s0+$0x3400] =	vst.msk vm0, v4;
	(pc) =	sbr.rel @!p0 .LBB2_3-.Ltmp4, $3  }
0x45: {  	_ =	sdelay $0x1  }
0x46: {  	s10 =	sadd.s32 $0x40, s10  }
0x47: {  	s12 =	sadd.s32 $0x10, s12;
	s13 =	sand.u32 $0x3E00, s10  }
0x48: {  	s10 =	sand.u32 $0x70, s9;
	s1 =	sadd.s32 s13, s1  }
0x49: {  	s1 =	sadd.s32 s10, s1  }
0x4a: {  	v3 =	vld [tilespmem:s1+$0x0];
	_ =	sdelay $0x4  }
0x4b: {  	vm0 =	vge.f32 v3, v2  }
0x4c: {  	v3 =	vmpcnt.ones.xlane vm0;
	_ =	sdelay $0x1  }
0x4d: {  	(v2sf) =	vpush v3, $0x0;
	_ =	sdelay $0xd  }
0x4e: {  	s13 =	spop (v2sf)  }
0x4f: {  	s0 =	sadd.s32 s0, s13;
	s16 =	spop (v2sf)  }
0x50: {  	v3 =	vor.u32 s9, v0;
	s26 =	sadd.s32 s0, s16  }
0x51: {  	[tilespmem:s0+$0x3400] =	vst.msk vm0, v3;
	s0 =	sadd.s32 $0x7F, s26  }
0x52: {  	s24 =	sand.u32 $0x7F, s0  }
0x53: {  	s30 =	sshra.s32 s0, $0x1F;
	p0 =	slt.s32 s0, $0x1;
	p1 =	sne.s32 s24, $0x0  }
0x54: {  	s31 =	sshrl.u32 s30, $0x19;
	p0 =	por !p0, !p1  }
0x55: {  	s1 =	simm.s32 $0x1;
	s0 =	sadd.s32 s31, s0;
	p0 =	por !p0, !p0  }
0x56: {  	[tilespmem:s26+$0x3400] =	vst v1;
	s0 =	sshra.s32 s0, $0x7;
	s1 =	simm.s32 @!p0 $0x0  }
0x57: {  	[tilespmem:s26+$0x3410] =	vst v1;
	s29 =	ssub.s32 s0, s1  }
0x58: {  	[tilespmem:s26+$0x3420] =	vst v1;
	p0 =	sgt.s32 s29, $0x0  }
.Ltmp5:
0x59: {  	[tilespmem:s26+$0x3430] =	vst v1;
	(pc) =	sbr.rel @!p0 .LBB2_5-.Ltmp5, $4  }
0x5a: {  	[tilespmem:s26+$0x3440] =	vst v1  }
0x5b: {  	[tilespmem:s26+$0x3450] =	vst v1  }
0x5c: {  	[tilespmem:s26+$0x3460] =	vst v1  }
0x5d: {  	s28 =	sadd.s32 s8, s25;
	[tilespmem:s26+$0x3470] =	vst v1  }
.Ltmp6:
0x5e: {  	(pc) =	sbr.rel .LBB2_7-.Ltmp6, $3  }
0x5f: {  	_ = 	snop  }
0x60: {  	s0 =	smul.u32 $0x310, s28;
	_ =	sdelay $0x1  }
0x61: {  	s30 =	simm.s32 $0x0;
	s31 =	simm.s32 $0x3400;
	v3 =	vmov s0;
	s0 =	simm.s32 $0x0  }
.LBB2_14:
0x62: {  	s0 =	sadd.s32 $0x1, s0  }
0x63: {  	p0 =	sne.s32 s0, s29  }
.Ltmp7:
0x64: {  	_ = 	snop;
	(pc) =	sbr.rel @!p0 .LBB2_15-.Ltmp7, $2  }
0x65: {  	_ =	sdelay $0x2  }
0x66: {  	s31 =	sadd.s32 $0x80, s31  }
.LBB2_7:
0x67: {  	v4 =	vmov s31;
	_ =	sdelay $0x3  }
0x68: {  	s1 =	simm.s32 $0x0;
	s9 =	simm.s32 $0x40  }
.LBB2_8:
0x69: {  	p0 =	sne.s32 s9, $0x1C0;
	v5 =	vld.idx.msk [tilespmem:v4+s1+$0x0 ss:$0x1], $0xffff;
	_ =	sdelay $0x5  }
0x6a: {  	v6 =	vshra.s32 v5, $0x1F  }
0x6b: {  	v7 =	vand.u32 $0x3, v5;
	v6 =	vshrl.u32 v6, $0x1E  }
.Ltmp8:
0x6c: {  	vm0 =	vlt.s32 v5, $0x1;
	vm1 =	vne.s32 v7, $0x0;
	v6 =	vadd.s32 v6, v5;
	(pc) =	sbr.rel @p0 .LBB2_8-.Ltmp8, $4  }
0x6d: {  	vm0 =	vmand vm0, vm1;
	v5 =	vshra.s32 v6, $0x2  }
0x6e: {  	v6 =	vsel vm0, $0xFFFFFFFF, v1;
	v5 =	vadd.s32 v3, v5  }
0x6f: {  	v5 =	vadd.s32 v6, v5  }
0x70: {  	[tilespmem:s1+$0x4180] =	vst v5;
	s1 =	sshra.s32 s9, $0x2;
	s9 =	sadd.s32 $0x40, s9  }
0x71: {  	_ =	sdelay $0x3  }
0x72: {  	v4 =	vld.idx.msk [tilespmem:v4+s1+$0x0 ss:$0x1], $0xffff;
	_ =	sdelay $0x4  }
0x73: {  	v5 =	vshra.s32 v4, $0x1F  }
0x74: {  	v6 =	vand.u32 $0x3, v4;
	v5 =	vshrl.u32 v5, $0x1E  }
0x75: {  	vm0 =	vlt.s32 v4, $0x1;
	vm1 =	vne.s32 v6, $0x0;
	v5 =	vadd.s32 v5, v4  }
0x76: {  	vm0 =	vmand vm0, vm1;
	v4 =	vshra.s32 v5, $0x2  }
0x77: {  	v5 =	vsel vm0, $0xFFFFFFFF, v1;
	v4 =	vadd.s32 v3, v4  }
0x78: {  	v4 =	vadd.s32 v5, v4  }
0x79: {  	[tilespmem:s1+$0x4180] =	vst v4;
	s1 =	sshll.u32 s0, $0x7  }
0x7a: {  	s9 =	ssub.s32 s26, s1  }
0x7b: {  	p0 =	slt.s32 s9, $0x80  }
0x7c: {  	p1 =	slt.s32 s9, $0xFFFFFFF2;
	s9 =	simm.s32 @!p0 $0x80  }
0x7d: {  	s10 =	sadd.s32 $0xF, s9  }
0x7e: {  	s12 =	sand.u32 $0xF, s10  }
0x7f: {  	s24 =	sshra.s32 s10, $0x1F;
	p6 =	sne.s32 s12, $0x0  }
0x80: {  	s12 =	sshrl.u32 s24, $0x1C;
	p0 =	por !p1, !p6  }
0x81: {  	s10 =	sadd.s32 s12, s10;
	s12 =	simm.s32 $0x1;
	p0 =	por !p0, !p0  }
0x82: {  	s10 =	sshra.s32 s10, $0x4;
	s12 =	simm.s32 @!p0 $0x0  }
0x83: {  	s13 =	ssub.s32 s10, s12  }
0x84: {  	p0 =	slt.s32 s13, $0x1  }
.Ltmp9:
0x85: {  	_ = 	snop;
	(pc) =	sbr.rel @p0 .LBB2_14-.Ltmp9, $4  }
0x86: {  	[tilespmem:s20], [sflag:$0x1] =	stream.indirect.gather [hbm4b:s4+s18], $0x80, s19, s18, $0xb8;
	[tilespmem:$0x8B80] =	vst v63  }
0x87: {  	_ =	swait.ge [sflag:s17], $0x4000  }
0x88: {  	[sflag:s17] =	ssyncset.done $0x0  }
0x89: {  	[sflag:s17] =	ssyncadd.s32 $0xFFFFC000  }
0x8a: {  	v4 =	vmov s9;
	s16 =	simm.s32 $0x0;
	s9 =	simm.s32 $0x0  }
.LBB2_11:
0x8b: {  	s10 =	sshll.u32 s9, $0x4  }
0x8c: {  	s12 =	sadd.s32 s1, s10  }
0x8d: {  	s24 =	sand.u32 $0x70, s10;
	s12 =	sand.u32 $0xFFFFFF80, s12  }
0x8e: {  	s12 =	sor.u32 s24, s12  }
0x8f: {  	v5 =	vld [tilespmem:s12+$0x3400];
	_ =	sdelay $0x4  }
0x90: {  	v7 =	vor.u32 s10, v0;
	v5 =	vshll.u32 v5, $0x5  }
0x91: {  	v8 =	vshll.u32 v7, $0x7;
	v6 =	vand.u32 $0x60, v5  }
0x92: {  	v6 =	vor.u32 v8, v6;
	_ =	sdelay $0x4  }
0x93: {  	v8 =	vld.idx.msk [tilespmem:v6+s20+$0x0], $0xffff;
	_ =	sdelay $0x2  }
0x94: {  	v9 =	vor.u32 s16, v5  }
0x95: {  	vm0 =	vlt.s32 v7, v4;
	vm1 =	vlt.s32 v9, $0x186A0  }
0x96: {  	vm1 =	vmand vm0, vm1;
	vm2 =	vge.f32 v8, v2  }
0x97: {  	vm1 =	vmand vm1, vm2  }
0x98: {  	v63 =	vmpcnt.ones.xlane vm1;
	_ =	sdelay $0x1  }
0x99: {  	v6 =	vor.u32 $0x1, v6;
	(v2sf) =	vpush v63, $0x0  }
0x9a: {  	v7 =	vadd.s32 s16, v6  }
0x9b: {  	p0 =	slt.s32 s30, $0x400;
	s10 =	smov.u32 s30  }
0x9c: {  	s10 =	simm.s32 @!p0 $0x400  }
0x9d: {  	[tilespmem:s10+$0x8200] =	vst.msk vm1, v9  }
0x9e: {  	[tilespmem:s10+$0x8680] =	vst.msk vm1, v8  }
0x9f: {  	s12 =	simm.s32 $0x2;
	s10 =	simm.s32 $0x1;
	v7 =	vld.idx.msk [tilespmem:v7+s20+$0x0], $0xffff  }
.LBB2_12:
0xa0: {  	p0 =	sne.s32 s12, $0x1F;
	_ =	sdelay $0x2  }
0xa1: {  	v8 =	vor.u32 s10, v5  }
0xa2: {  	vm1 =	vlt.s32 v8, $0x186A0  }
0xa3: {  	vm1 =	vmand vm0, vm1;
	vm2 =	vge.f32 v7, v2  }
0xa4: {  	vm1 =	vmand vm1, vm2  }
0xa5: {  	v9 =	vmpcnt.ones.xlane vm1  }
0xa6: {  	s24 =	spop (v2sf)  }
0xa7: {  	(v2sf) =	vpush v9, $0x0;
	s30 =	sadd.s32 s30, s24  }
0xa8: {  	v9 =	vadd.s32 s10, v6;
	s10 =	smov.u32 s12;
	p1 =	slt.s32 s30, $0x400;
	s24 =	smov.u32 s30  }
.Ltmp10:
0xa9: {  	s24 =	simm.s32 @!p1 $0x400;
	(pc) =	sbr.rel @p0 .LBB2_12-.Ltmp10, $3  }
0xaa: {  	[tilespmem:s24+$0x8200] =	vst.msk vm1, v8  }
0xab: {  	[tilespmem:s24+$0x8680] =	vst.msk vm1, v7;
	_ =	sdelay $0x1  }
0xac: {  	s12 =	sadd.s32 $0x1, s12;
	v7 =	vld.idx.msk [tilespmem:v9+s20+$0x0], $0xffff  }
0xad: {  	_ =	sdelay $0x1  }
0xae: {  	v5 =	vor.u32 s10, v5  }
0xaf: {  	vm1 =	vlt.s32 v5, $0x186A0  }
0xb0: {  	vm0 =	vmand vm0, vm1;
	vm2 =	vge.f32 v7, v2  }
0xb1: {  	vm0 =	vmand vm0, vm2  }
0xb2: {  	v6 =	vmpcnt.ones.xlane vm0;
	_ =	sdelay $0x1  }
0xb3: {  	(v2sf) =	vpush v6, $0x0;
	_ =	sdelay $0x7  }
0xb4: {  	s24 =	spop (v2sf)  }
0xb5: {  	s10 =	sadd.s32 s30, s24  }
0xb6: {  	s9 =	sadd.s32 $0x1, s9;
	p0 =	slt.s32 s10, $0x400;
	s12 =	smov.u32 s10  }
0xb7: {  	s12 =	simm.s32 @!p0 $0x400;
	p0 =	sne.s32 s9, s13  }
.Ltmp11:
0xb8: {  	_ = 	snop;
	(pc) =	sbr.rel @p0 .LBB2_11-.Ltmp11, $4  }
.Ltmp12:
0xb9: {  	_ = 	snop;
	(pc) =	sbr.rel @!p0 .LBB2_14-.Ltmp12, $4  }
0xba: {  	_ = 	snop  }
0xbb: {  	[tilespmem:s12+$0x8200] =	vst.msk vm0, v5;
	s24 =	spop (v2sf)  }
0xbc: {  	[tilespmem:s12+$0x8680] =	vst.msk vm0, v7;
	s30 =	sadd.s32 s10, s24  }
0xbd: {  	_ = 	snop  }
.LBB2_17:
0xbe: {  	_ =	sfence.sel $0x180000  }
0xbf: {  	[bflag:$0x0] =	sbarrier.arrive $0xFFFF  }
0xc0: {  	_ =	strace $0x90000047  }
0xc1: {  	s0 =	stileid.u32;
	[bflag:$0x2] =	sbarrier.arrive $0xFFFF  }
0xc2: {  	p0 =	sne.s32 s0, $0x0;
	s0 =	rddreg [dreg:$0x1]  }
0xc3: {  	s0 =	sadd.s32 @!p0 $0x100000, s0  }
0xc4: {  	[sflag:s0] =	ssyncadd.tile.s32 @!p0 $0x1;
	_ =	shalt  }
.Lfunc_end2:
_tile_overlayer_lowered:
.L_overlay_start_2:
0xc5: {  	(tag) =	ssettag $0x2  }
0xc6: {  	s0 =	rddreg [dreg:$0x0];
	s2 =	stileid.u32  }
0xc7: {  	s1 =	rddreg [dreg:$0x1];
	p0 =	sne.s32 s2, $0x0  }
0xc8: {  	s3 =	rddreg [dreg:$0x2];
	[bflag:$0x3] =	sbarrier.arrive $0xFFFF;
	s2 =	simm.s32 @!p0 $0x1C02  }
0xc9: {  	[timem:s3], [sflag:s2] =	dma.local @!p0 [hbm:s0], s1  }
0xca: {  	s0 =	simm.s32 @!p0 $0x2  }
0xcb: {  	_ =	swait.ge @!p0 [sflag:s0], s1  }
0xcc: {  	s1 =	ssub.s32 @!p0 $0x0, s1;
	[sflag:s0] =	ssyncset.done @!p0 $0x0  }
0xcd: {  	[sflag:s0] =	ssyncadd.s32 @!p0 s1  }
0xce: {  	[bflag:$0x3] =	sbarrier.arrive $0xFFFF  }
0xcf: {  	_ =	shalt  }

</sc_bundles>
